<compile_context>
chip_gen: v7x
topology: tpu7x:2x2x1
jax: 0.10.2.dev20260603
libtpu: 0.0.44.dev20260713+nightly
codegen_flags: <defaults>
</compile_context>

<pallas_src>
import jax
import jax.numpy as jnp
from jax import lax
from jax.experimental import pallas as pl
from jax.experimental.pallas import tpu as pltpu
from jax.experimental.pallas import tpu_sc as plsc

NUM_ENTITIES = 1000000
NUM_RELATIONS = 1000
D = 128
D2 = 64
B = 16384
NC = 2
NS = 16
NW = NC * NS
BPW = B // NW
CHUNK = 64
NCHUNK = BPW // CHUNK
L = 16


def _trig_body(rel_ref, rot_ref):
    ph = rel_ref[...]
    rot_ref[...] = jnp.concatenate([jnp.cos(ph), jnp.sin(ph)], axis=1)


def _make_rot_table(relation_emb):
    return pl.pallas_call(
        _trig_body,
        out_shape=jax.ShapeDtypeStruct((NUM_RELATIONS, D), jnp.float32),
    )(relation_emb)


def _sqrt16_x2(x):
    i = plsc.bitcast(x, jnp.int32)
    y = plsc.bitcast(jnp.int32(0x5F3759DF) - (i >> 1), jnp.float32)
    return x * (y * (3.0 - x * y * y))


def _score_chunk(h_v, t_v, r_v, part_v, out_v, c):

    def row_body(r, _):
        acc = jnp.zeros((L,), jnp.float32)
        for g in range(D2 // L):
            lo = g * L
            hi = D2 + g * L
            reh = h_v[r, pl.ds(lo, L)]
            imh = h_v[r, pl.ds(hi, L)]
            ret = t_v[r, pl.ds(lo, L)]
            imt = t_v[r, pl.ds(hi, L)]
            cr = r_v[r, pl.ds(lo, L)]
            sr = r_v[r, pl.ds(hi, L)]
            re_s = reh * cr - imh * sr - ret
            im_s = reh * sr + imh * cr - imt
            acc = acc + _sqrt16_x2(re_s * re_s + im_s * im_s)
        part_v[r, :] = acc
        return 0

    lax.fori_loop(0, CHUNK, row_body, 0)

    def blk_body(blk, _):
        rows = blk * L + lax.iota(jnp.int32, L)
        acc16 = jnp.zeros((L,), jnp.float32)
        for k in range(L):
            cols = jnp.full((L,), k, jnp.int32)
            acc16 = acc16 + plsc.load_gather(part_v, [rows, cols])
        out_v[pl.ds(c * CHUNK + blk * L, L)] = acc16 * (-0.5)
        return 0

    lax.fori_loop(0, CHUNK // L, blk_body, 0)


def _sc_body(h_idx_hbm, t_idx_hbm, r_idx_hbm, ent_hbm, rot_hbm,
             out_hbm, idxh_v, idxt_v, idxr_v, hbuf, tbuf, rbuf,
             part_v, out_v, sem0, sem1):
    wid = lax.axis_index("s") * NC + lax.axis_index("c")
    base = wid * BPW
    ci0 = pltpu.async_copy(h_idx_hbm.at[pl.ds(base, BPW)], idxh_v, sem0)
    ci1 = pltpu.async_copy(t_idx_hbm.at[pl.ds(base, BPW)], idxt_v, sem0)
    ci2 = pltpu.async_copy(r_idx_hbm.at[pl.ds(base, BPW)], idxr_v, sem0)
    ci0.wait()
    ci1.wait()
    ci2.wait()
    sems = (sem0, sem1)
    bufs = ((hbuf.at[0], tbuf.at[0], rbuf.at[0]),
            (hbuf.at[1], tbuf.at[1], rbuf.at[1]))

    def fire(c, b):
        sl = pl.ds(c * CHUNK, CHUNK)
        h_b, t_b, r_b = bufs[b]
        pltpu.async_copy(ent_hbm.at[idxh_v.at[sl]], h_b, sems[b])
        pltpu.async_copy(ent_hbm.at[idxt_v.at[sl]], t_b, sems[b])
        pltpu.async_copy(rot_hbm.at[idxr_v.at[sl]], r_b, sems[b])

    def drain(b):
        dummy = ent_hbm.at[pl.ds(0, CHUNK)]
        for dst in bufs[b]:
            pltpu.make_async_copy(dummy, dst, sems[b]).wait()

    fire(0, 0)

    def chunk_pair(i, _):
        for b in (0, 1):
            c = i * 2 + b

            @pl.when(c + 1 < NCHUNK)
            def _():
                fire(c + 1, 1 - b)

            drain(b)
            h_b, t_b, r_b = bufs[b]
            _score_chunk(h_b, t_b, r_b, part_v, out_v, c)
        return 0

    lax.fori_loop(0, NCHUNK // 2, chunk_pair, 0)
    pltpu.sync_copy(out_v, out_hbm.at[pl.ds(base, BPW)])


@jax.jit
def _rotate_score(h_idx, r_idx, t_idx, entity_emb, rot_table):
    mesh = plsc.VectorSubcoreMesh(core_axis_name="c", subcore_axis_name="s",
                                  num_cores=NC, num_subcores=NS)
    return pl.kernel(
        _sc_body,
        out_type=jax.ShapeDtypeStruct((B,), jnp.float32),
        mesh=mesh,
        compiler_params=pltpu.CompilerParams(needs_layout_passes=False),
        scratch_types=[
            pltpu.VMEM((BPW,), jnp.int32),
            pltpu.VMEM((BPW,), jnp.int32),
            pltpu.VMEM((BPW,), jnp.int32),
            pltpu.VMEM((2, CHUNK, D), jnp.float32),
            pltpu.VMEM((2, CHUNK, D), jnp.float32),
            pltpu.VMEM((2, CHUNK, D), jnp.float32),
            pltpu.VMEM((CHUNK, L), jnp.float32),
            pltpu.VMEM((BPW,), jnp.float32),
            pltpu.SemaphoreType.DMA,
            pltpu.SemaphoreType.DMA,
        ],
    )(h_idx, t_idx, r_idx, entity_emb, rot_table)


def kernel(h_idx, r_idx, t_idx, entity_emb, relation_emb):
    rot_table = _make_rot_table(relation_emb)
    return _rotate_score(h_idx, r_idx, t_idx, entity_emb, rot_table)

# --- scband reference (transcript-rebuilt; emitter-appended) ---
"""Pipeline reference for scband-rotat-ebase-77945066488378 (READ-ONLY COPY).

The authoritative reference and input builder live on the scoring server;
editing this copy changes nothing except your own understanding.
"""

import jax, jax.numpy as jnp
import numpy as np

NUM_ENTITIES = 1000000
NUM_RELATIONS = 1000
EMBED_DIM = 128
B = 16384


def setup_inputs(seed: int = 0) -> dict:
    key = jax.random.key(seed)
    k1, k2, k3, k4, k5 = jax.random.split(key, 5)
    h_idx = jax.random.randint(k1, (B,), 0, NUM_ENTITIES)
    r_idx = jax.random.randint(k2, (B,), 0, NUM_RELATIONS)
    t_idx = jax.random.randint(k3, (B,), 0, NUM_ENTITIES)
    entity_emb = jax.random.uniform(k4, (NUM_ENTITIES, EMBED_DIM), dtype=jnp.float32, minval=-1.0, maxval=1.0)
    relation_emb = jax.random.uniform(k5, (NUM_RELATIONS, EMBED_DIM // 2), dtype=jnp.float32, minval=-np.pi, maxval=np.pi)
    return {"h_idx": h_idx, "r_idx": r_idx, "t_idx": t_idx, "entity_emb": entity_emb, "relation_emb": relation_emb}


def reference(h_idx, r_idx, t_idx, entity_emb, relation_emb):
    # embedding lookups (gather)
    h = jnp.take(entity_emb, h_idx, axis=0)
    t = jnp.take(entity_emb, t_idx, axis=0)
    phase = jnp.take(relation_emb, r_idx, axis=0)
    # unit-modulus rotation
    re_r = jnp.cos(phase)
    im_r = jnp.sin(phase)
    d2 = EMBED_DIM // 2
    re_h, im_h = h[:, :d2], h[:, d2:]
    re_t, im_t = t[:, :d2], t[:, d2:]
    re_score = re_h * re_r - im_h * im_r - re_t
    im_score = re_h * im_r + im_h * re_r - im_t
    # norm over the stacked (re, im) axis == complex modulus
    dist = jnp.sqrt(re_score ** 2 + im_score ** 2)
    return -dist.sum(axis=-1)

if __name__ == "__main__":
    import jax
    _d = setup_inputs()
    print(jax.jit(kernel)(*tuple(_d.values())))

</pallas_src>

<mosaic_0001>
#map = affine_map<(d0, d1) -> (0)>
#map1 = affine_map<(d0, d1) -> (0, 0)>
module attributes {stable_mosaic.version = 14 : i64} {
  func.func @_sc_body(%arg0: i32, %arg1: i32, %arg2: memref<16384xi32, #tpu.memory_space<hbm>>, %arg3: memref<16384xi32, #tpu.memory_space<hbm>>, %arg4: memref<16384xi32, #tpu.memory_space<hbm>>, %arg5: memref<1000000x128xf32, #tpu.memory_space<hbm>>, %arg6: memref<1000x128xf32, #tpu.memory_space<hbm>>, %arg7: memref<16384xf32, #tpu.memory_space<hbm>>, %arg8: memref<512xi32, #tpu.memory_space<vmem>>, %arg9: memref<512xi32, #tpu.memory_space<vmem>>, %arg10: memref<512xi32, #tpu.memory_space<vmem>>, %arg11: memref<2x64x128xf32, #tpu.memory_space<vmem>>, %arg12: memref<2x64x128xf32, #tpu.memory_space<vmem>>, %arg13: memref<2x64x128xf32, #tpu.memory_space<vmem>>, %arg14: memref<64x16xf32, #tpu.memory_space<vmem>>, %arg15: memref<512xf32, #tpu.memory_space<vmem>>, %arg16: memref<!tpu.dma_semaphore, #tpu.memory_space<semaphore_mem>>, %arg17: memref<!tpu.dma_semaphore, #tpu.memory_space<semaphore_mem>>) attributes {dimension_semantics = [#tpu.dimension_semantics<core_parallel>, #tpu.dimension_semantics<subcore_parallel>], iteration_bounds = array<i64: 2, 16>, scalar_prefetch = 0 : i64, scratch_operands = 10 : i64, tpu.core_type = #tpu.core_type<sc_vector_subcore>, window_params = [{transform_indices = #map}, {transform_indices = #map}, {transform_indices = #map}, {transform_indices = #map1}, {transform_indices = #map1}, {transform_indices = #map}]} {
    %mul3A = arith.constant 2 : i32
    %mul3A_0 = arith.muli %arg1, %mul3A : i32
    %add3A = arith.addi %mul3A_0, %arg0 : i32
    %mul3A_1 = arith.constant 512 : i32
    %mul3A_2 = arith.muli %add3A, %mul3A_1 : i32
    %dma_start3A = tpu.memref_slice %arg2[%mul3A_2] : memref<16384xi32, #tpu.memory_space<hbm>> -> memref<512xi32, #tpu.memory_space<hbm>>
    %dma_start3A_3 = tpu.memref_slice %arg2[%mul3A_2] : memref<16384xi32, #tpu.memory_space<hbm>> -> memref<512xi32, #tpu.memory_space<hbm>>
    tpu.enqueue_dma source(%dma_start3A_3 : memref<512xi32, #tpu.memory_space<hbm>>) target(%arg8 : memref<512xi32, #tpu.memory_space<vmem>>) target_semaphore(%arg16 : memref<!tpu.dma_semaphore, #tpu.memory_space<semaphore_mem>>)
    %dma_start3A_4 = tpu.memref_slice %arg3[%mul3A_2] : memref<16384xi32, #tpu.memory_space<hbm>> -> memref<512xi32, #tpu.memory_space<hbm>>
    %dma_start3A_5 = tpu.memref_slice %arg3[%mul3A_2] : memref<16384xi32, #tpu.memory_space<hbm>> -> memref<512xi32, #tpu.memory_space<hbm>>
    tpu.enqueue_dma source(%dma_start3A_5 : memref<512xi32, #tpu.memory_space<hbm>>) target(%arg9 : memref<512xi32, #tpu.memory_space<vmem>>) target_semaphore(%arg16 : memref<!tpu.dma_semaphore, #tpu.memory_space<semaphore_mem>>)
    %dma_start3A_6 = tpu.memref_slice %arg4[%mul3A_2] : memref<16384xi32, #tpu.memory_space<hbm>> -> memref<512xi32, #tpu.memory_space<hbm>>
    %dma_start3A_7 = tpu.memref_slice %arg4[%mul3A_2] : memref<16384xi32, #tpu.memory_space<hbm>> -> memref<512xi32, #tpu.memory_space<hbm>>
    tpu.enqueue_dma source(%dma_start3A_7 : memref<512xi32, #tpu.memory_space<hbm>>) target(%arg10 : memref<512xi32, #tpu.memory_space<vmem>>) target_semaphore(%arg16 : memref<!tpu.dma_semaphore, #tpu.memory_space<semaphore_mem>>)
    %dma_wait3A = tpu.memref_slice %arg2[%mul3A_2] : memref<16384xi32, #tpu.memory_space<hbm>> -> memref<512xi32, #tpu.memory_space<hbm>>
    %dma_wait3A_8 = tpu.memref_slice %arg2[%mul3A_2] : memref<16384xi32, #tpu.memory_space<hbm>> -> memref<512xi32, #tpu.memory_space<hbm>>
    tpu.wait_dma2 semaphore(%arg16 : memref<!tpu.dma_semaphore, #tpu.memory_space<semaphore_mem>>) src(%dma_wait3A_8 : memref<512xi32, #tpu.memory_space<hbm>>) dst(%arg8 : memref<512xi32, #tpu.memory_space<vmem>>)
    %dma_wait3A_9 = tpu.memref_slice %arg3[%mul3A_2] : memref<16384xi32, #tpu.memory_space<hbm>> -> memref<512xi32, #tpu.memory_space<hbm>>
    %dma_wait3A_10 = tpu.memref_slice %arg3[%mul3A_2] : memref<16384xi32, #tpu.memory_space<hbm>> -> memref<512xi32, #tpu.memory_space<hbm>>
    tpu.wait_dma2 semaphore(%arg16 : memref<!tpu.dma_semaphore, #tpu.memory_space<semaphore_mem>>) src(%dma_wait3A_10 : memref<512xi32, #tpu.memory_space<hbm>>) dst(%arg9 : memref<512xi32, #tpu.memory_space<vmem>>)
    %dma_wait3A_11 = tpu.memref_slice %arg4[%mul3A_2] : memref<16384xi32, #tpu.memory_space<hbm>> -> memref<512xi32, #tpu.memory_space<hbm>>
    %dma_wait3A_12 = tpu.memref_slice %arg4[%mul3A_2] : memref<16384xi32, #tpu.memory_space<hbm>> -> memref<512xi32, #tpu.memory_space<hbm>>
    tpu.wait_dma2 semaphore(%arg16 : memref<!tpu.dma_semaphore, #tpu.memory_space<semaphore_mem>>) src(%dma_wait3A_12 : memref<512xi32, #tpu.memory_space<hbm>>) dst(%arg10 : memref<512xi32, #tpu.memory_space<vmem>>)
    %dma_start3A_13 = arith.constant 0 : i32
    %dma_start3A_14 = arith.constant 0 : i32
    %dma_start3A_15 = arith.constant 0 : i32
    %dma_start3A_16 = tpu.memref_slice %arg11[%dma_start3A_13, %dma_start3A_14, %dma_start3A_15] : memref<2x64x128xf32, #tpu.memory_space<vmem>> -> memref<1x64x128xf32, #tpu.memory_space<vmem>>
    %dma_start3A_17 = tpu.memref_squeeze %dma_start3A_16 : memref<1x64x128xf32, #tpu.memory_space<vmem>> -> memref<64x128xf32, #tpu.memory_space<vmem>>
    %dma_start3A_18 = arith.constant 0 : i32
    %dma_start3A_19 = tpu.memref_slice %arg8[%dma_start3A_18] : memref<512xi32, #tpu.memory_space<vmem>> -> memref<64xi32, #tpu.memory_space<vmem>>
    %dma_start3A_20 = arith.constant 0 : i32
    %dma_start3A_21 = arith.constant 0 : i32
    %dma_start3A_22 = tpu.memref_slice %arg5[%dma_start3A_20, %dma_start3A_21] : memref<1000000x128xf32, #tpu.memory_space<hbm>> -> memref<1000000x128xf32, #tpu.memory_space<hbm>>
    tpu.enqueue_indirect_dma source(%dma_start3A_22 : memref<1000000x128xf32, #tpu.memory_space<hbm>>) target(%dma_start3A_17 : memref<64x128xf32, #tpu.memory_space<vmem>>) offsets(%dma_start3A_19 : memref<64xi32, #tpu.memory_space<vmem>>) semaphore(%arg16 : memref<!tpu.dma_semaphore, #tpu.memory_space<semaphore_mem>>)
    %dma_start3A_23 = arith.constant 0 : i32
    %dma_start3A_24 = arith.constant 0 : i32
    %dma_start3A_25 = arith.constant 0 : i32
    %dma_start3A_26 = tpu.memref_slice %arg12[%dma_start3A_23, %dma_start3A_24, %dma_start3A_25] : memref<2x64x128xf32, #tpu.memory_space<vmem>> -> memref<1x64x128xf32, #tpu.memory_space<vmem>>
    %dma_start3A_27 = tpu.memref_squeeze %dma_start3A_26 : memref<1x64x128xf32, #tpu.memory_space<vmem>> -> memref<64x128xf32, #tpu.memory_space<vmem>>
    %dma_start3A_28 = arith.constant 0 : i32
    %dma_start3A_29 = tpu.memref_slice %arg9[%dma_start3A_28] : memref<512xi32, #tpu.memory_space<vmem>> -> memref<64xi32, #tpu.memory_space<vmem>>
    %dma_start3A_30 = arith.constant 0 : i32
    %dma_start3A_31 = arith.constant 0 : i32
    %dma_start3A_32 = tpu.memref_slice %arg5[%dma_start3A_30, %dma_start3A_31] : memref<1000000x128xf32, #tpu.memory_space<hbm>> -> memref<1000000x128xf32, #tpu.memory_space<hbm>>
    tpu.enqueue_indirect_dma source(%dma_start3A_32 : memref<1000000x128xf32, #tpu.memory_space<hbm>>) target(%dma_start3A_27 : memref<64x128xf32, #tpu.memory_space<vmem>>) offsets(%dma_start3A_29 : memref<64xi32, #tpu.memory_space<vmem>>) semaphore(%arg16 : memref<!tpu.dma_semaphore, #tpu.memory_space<semaphore_mem>>)
    %dma_start3A_33 = arith.constant 0 : i32
    %dma_start3A_34 = arith.constant 0 : i32
    %dma_start3A_35 = arith.constant 0 : i32
    %dma_start3A_36 = tpu.memref_slice %arg13[%dma_start3A_33, %dma_start3A_34, %dma_start3A_35] : memref<2x64x128xf32, #tpu.memory_space<vmem>> -> memref<1x64x128xf32, #tpu.memory_space<vmem>>
    %dma_start3A_37 = tpu.memref_squeeze %dma_start3A_36 : memref<1x64x128xf32, #tpu.memory_space<vmem>> -> memref<64x128xf32, #tpu.memory_space<vmem>>
    %dma_start3A_38 = arith.constant 0 : i32
    %dma_start3A_39 = tpu.memref_slice %arg10[%dma_start3A_38] : memref<512xi32, #tpu.memory_space<vmem>> -> memref<64xi32, #tpu.memory_space<vmem>>
    %dma_start3A_40 = arith.constant 0 : i32
    %dma_start3A_41 = arith.constant 0 : i32
    %dma_start3A_42 = tpu.memref_slice %arg6[%dma_start3A_40, %dma_start3A_41] : memref<1000x128xf32, #tpu.memory_space<hbm>> -> memref<1000x128xf32, #tpu.memory_space<hbm>>
    tpu.enqueue_indirect_dma source(%dma_start3A_42 : memref<1000x128xf32, #tpu.memory_space<hbm>>) target(%dma_start3A_37 : memref<64x128xf32, #tpu.memory_space<vmem>>) offsets(%dma_start3A_39 : memref<64xi32, #tpu.memory_space<vmem>>) semaphore(%arg16 : memref<!tpu.dma_semaphore, #tpu.memory_space<semaphore_mem>>)
    %scan3A = arith.constant 1 : i32
    %scan3A_43 = arith.constant 1 : i32
    %scan3A_44 = arith.constant 1 : i32
    %scan3A_45 = arith.constant 0 : i32
    %scan3A_46 = arith.constant 0 : i32
    %scan3A_47 = arith.constant 0 : i32
    %scan3A_48 = arith.constant 0 : i32
    %scan3A_49 = arith.constant 0 : i32
    %scan3A_50 = arith.constant 4 : i32
    %scan3A_51 = arith.addi %scan3A_49, %scan3A_50 : i32
    %scan3A_52 = arith.constant 1 : i32
    %scan3A_53 = scf.for %scan3A_55 = %scan3A_49 to %scan3A_51 step %scan3A_52 iter_args(%scan3A_56 = %scan3A_48) -> (i32)  : i32 {
      %mul3A_57 = arith.constant 2 : i32
      %mul3A_58 = arith.muli %scan3A_55, %mul3A_57 : i32
      %add3A_59 = arith.constant 0 : i32
      %add3A_60 = arith.addi %mul3A_58, %add3A_59 : i32
      %add3A_61 = arith.constant 1 : i32
      %add3A_62 = arith.addi %add3A_60, %add3A_61 : i32
      %lt3A = arith.constant 8 : i32
      %lt3A_63 = arith.cmpi slt, %add3A_62, %lt3A : i32
      %convert_element_type3A = arith.extui %lt3A_63 : i1 to i32
      %cond3A = arith.constant 0 : i32
      %cond3A_64 = arith.cmpi ne, %convert_element_type3A, %cond3A : i32
      scf.if %cond3A_64 {
        %add3A_189 = arith.constant 1 : i32
        %add3A_190 = arith.addi %add3A_60, %add3A_189 : i32
        %mul3A_191 = arith.constant 64 : i32
        %mul3A_192 = arith.muli %add3A_190, %mul3A_191 : i32
        %dma_start3A_193 = arith.constant 0 : i32
        %dma_start3A_194 = arith.constant 0 : i32
        %dma_start3A_195 = tpu.memref_slice %arg11[%scan3A, %dma_start3A_193, %dma_start3A_194] : memref<2x64x128xf32, #tpu.memory_space<vmem>> -> memref<1x64x128xf32, #tpu.memory_space<vmem>>
        %dma_start3A_196 = tpu.memref_squeeze %dma_start3A_195 : memref<1x64x128xf32, #tpu.memory_space<vmem>> -> memref<64x128xf32, #tpu.memory_space<vmem>>
        %dma_start3A_197 = tpu.memref_slice %arg8[%mul3A_192] : memref<512xi32, #tpu.memory_space<vmem>> -> memref<64xi32, #tpu.memory_space<vmem>>
        %dma_start3A_198 = arith.constant 0 : i32
        %dma_start3A_199 = arith.constant 0 : i32
        %dma_start3A_200 = tpu.memref_slice %arg5[%dma_start3A_198, %dma_start3A_199] : memref<1000000x128xf32, #tpu.memory_space<hbm>> -> memref<1000000x128xf32, #tpu.memory_space<hbm>>
        tpu.enqueue_indirect_dma source(%dma_start3A_200 : memref<1000000x128xf32, #tpu.memory_space<hbm>>) target(%dma_start3A_196 : memref<64x128xf32, #tpu.memory_space<vmem>>) offsets(%dma_start3A_197 : memref<64xi32, #tpu.memory_space<vmem>>) semaphore(%arg17 : memref<!tpu.dma_semaphore, #tpu.memory_space<semaphore_mem>>)
        %dma_start3A_201 = arith.constant 0 : i32
        %dma_start3A_202 = arith.constant 0 : i32
        %dma_start3A_203 = tpu.memref_slice %arg12[%scan3A_43, %dma_start3A_201, %dma_start3A_202] : memref<2x64x128xf32, #tpu.memory_space<vmem>> -> memref<1x64x128xf32, #tpu.memory_space<vmem>>
        %dma_start3A_204 = tpu.memref_squeeze %dma_start3A_203 : memref<1x64x128xf32, #tpu.memory_space<vmem>> -> memref<64x128xf32, #tpu.memory_space<vmem>>
        %dma_start3A_205 = tpu.memref_slice %arg9[%mul3A_192] : memref<512xi32, #tpu.memory_space<vmem>> -> memref<64xi32, #tpu.memory_space<vmem>>
        %dma_start3A_206 = arith.constant 0 : i32
        %dma_start3A_207 = arith.constant 0 : i32
        %dma_start3A_208 = tpu.memref_slice %arg5[%dma_start3A_206, %dma_start3A_207] : memref<1000000x128xf32, #tpu.memory_space<hbm>> -> memref<1000000x128xf32, #tpu.memory_space<hbm>>
        tpu.enqueue_indirect_dma source(%dma_start3A_208 : memref<1000000x128xf32, #tpu.memory_space<hbm>>) target(%dma_start3A_204 : memref<64x128xf32, #tpu.memory_space<vmem>>) offsets(%dma_start3A_205 : memref<64xi32, #tpu.memory_space<vmem>>) semaphore(%arg17 : memref<!tpu.dma_semaphore, #tpu.memory_space<semaphore_mem>>)
        %dma_start3A_209 = arith.constant 0 : i32
        %dma_start3A_210 = arith.constant 0 : i32
        %dma_start3A_211 = tpu.memref_slice %arg13[%scan3A_44, %dma_start3A_209, %dma_start3A_210] : memref<2x64x128xf32, #tpu.memory_space<vmem>> -> memref<1x64x128xf32, #tpu.memory_space<vmem>>
        %dma_start3A_212 = tpu.memref_squeeze %dma_start3A_211 : memref<1x64x128xf32, #tpu.memory_space<vmem>> -> memref<64x128xf32, #tpu.memory_space<vmem>>
        %dma_start3A_213 = tpu.memref_slice %arg10[%mul3A_192] : memref<512xi32, #tpu.memory_space<vmem>> -> memref<64xi32, #tpu.memory_space<vmem>>
        %dma_start3A_214 = arith.constant 0 : i32
        %dma_start3A_215 = arith.constant 0 : i32
        %dma_start3A_216 = tpu.memref_slice %arg6[%dma_start3A_214, %dma_start3A_215] : memref<1000x128xf32, #tpu.memory_space<hbm>> -> memref<1000x128xf32, #tpu.memory_space<hbm>>
        tpu.enqueue_indirect_dma source(%dma_start3A_216 : memref<1000x128xf32, #tpu.memory_space<hbm>>) target(%dma_start3A_212 : memref<64x128xf32, #tpu.memory_space<vmem>>) offsets(%dma_start3A_213 : memref<64xi32, #tpu.memory_space<vmem>>) semaphore(%arg17 : memref<!tpu.dma_semaphore, #tpu.memory_space<semaphore_mem>>)
      } else {
      }
      %dma_wait3A_65 = arith.constant 0 : i32
      %dma_wait3A_66 = arith.constant 0 : i32
      %dma_wait3A_67 = tpu.memref_slice %arg11[%scan3A_45, %dma_wait3A_65, %dma_wait3A_66] : memref<2x64x128xf32, #tpu.memory_space<vmem>> -> memref<1x64x128xf32, #tpu.memory_space<vmem>>
      %dma_wait3A_68 = tpu.memref_squeeze %dma_wait3A_67 : memref<1x64x128xf32, #tpu.memory_space<vmem>> -> memref<64x128xf32, #tpu.memory_space<vmem>>
      %dma_wait3A_69 = arith.constant 0 : i32
      %dma_wait3A_70 = arith.constant 0 : i32
      %dma_wait3A_71 = tpu.memref_slice %arg5[%dma_wait3A_69, %dma_wait3A_70] : memref<1000000x128xf32, #tpu.memory_space<hbm>> -> memref<64x128xf32, #tpu.memory_space<hbm>>
      %dma_wait3A_72 = arith.constant 0 : i32
      %dma_wait3A_73 = arith.constant 0 : i32
      %dma_wait3A_74 = tpu.memref_slice %arg11[%scan3A_45, %dma_wait3A_72, %dma_wait3A_73] : memref<2x64x128xf32, #tpu.memory_space<vmem>> -> memref<1x64x128xf32, #tpu.memory_space<vmem>>
      %dma_wait3A_75 = tpu.memref_squeeze %dma_wait3A_74 : memref<1x64x128xf32, #tpu.memory_space<vmem>> -> memref<64x128xf32, #tpu.memory_space<vmem>>
      %dma_wait3A_76 = arith.constant 0 : i32
      %dma_wait3A_77 = arith.constant 0 : i32
      %dma_wait3A_78 = tpu.memref_slice %arg5[%dma_wait3A_76, %dma_wait3A_77] : memref<1000000x128xf32, #tpu.memory_space<hbm>> -> memref<64x128xf32, #tpu.memory_space<hbm>>
      tpu.wait_dma2 semaphore(%arg16 : memref<!tpu.dma_semaphore, #tpu.memory_space<semaphore_mem>>) src(%dma_wait3A_78 : memref<64x128xf32, #tpu.memory_space<hbm>>) dst(%dma_wait3A_75 : memref<64x128xf32, #tpu.memory_space<vmem>>)
      %dma_wait3A_79 = arith.constant 0 : i32
      %dma_wait3A_80 = arith.constant 0 : i32
      %dma_wait3A_81 = tpu.memref_slice %arg12[%scan3A_46, %dma_wait3A_79, %dma_wait3A_80] : memref<2x64x128xf32, #tpu.memory_space<vmem>> -> memref<1x64x128xf32, #tpu.memory_space<vmem>>
      %dma_wait3A_82 = tpu.memref_squeeze %dma_wait3A_81 : memref<1x64x128xf32, #tpu.memory_space<vmem>> -> memref<64x128xf32, #tpu.memory_space<vmem>>
      %dma_wait3A_83 = arith.constant 0 : i32
      %dma_wait3A_84 = arith.constant 0 : i32
      %dma_wait3A_85 = tpu.memref_slice %arg5[%dma_wait3A_83, %dma_wait3A_84] : memref<1000000x128xf32, #tpu.memory_space<hbm>> -> memref<64x128xf32, #tpu.memory_space<hbm>>
      %dma_wait3A_86 = arith.constant 0 : i32
      %dma_wait3A_87 = arith.constant 0 : i32
      %dma_wait3A_88 = tpu.memref_slice %arg12[%scan3A_46, %dma_wait3A_86, %dma_wait3A_87] : memref<2x64x128xf32, #tpu.memory_space<vmem>> -> memref<1x64x128xf32, #tpu.memory_space<vmem>>
      %dma_wait3A_89 = tpu.memref_squeeze %dma_wait3A_88 : memref<1x64x128xf32, #tpu.memory_space<vmem>> -> memref<64x128xf32, #tpu.memory_space<vmem>>
      %dma_wait3A_90 = arith.constant 0 : i32
      %dma_wait3A_91 = arith.constant 0 : i32
      %dma_wait3A_92 = tpu.memref_slice %arg5[%dma_wait3A_90, %dma_wait3A_91] : memref<1000000x128xf32, #tpu.memory_space<hbm>> -> memref<64x128xf32, #tpu.memory_space<hbm>>
      tpu.wait_dma2 semaphore(%arg16 : memref<!tpu.dma_semaphore, #tpu.memory_space<semaphore_mem>>) src(%dma_wait3A_92 : memref<64x128xf32, #tpu.memory_space<hbm>>) dst(%dma_wait3A_89 : memref<64x128xf32, #tpu.memory_space<vmem>>)
      %dma_wait3A_93 = arith.constant 0 : i32
      %dma_wait3A_94 = arith.constant 0 : i32
      %dma_wait3A_95 = tpu.memref_slice %arg13[%scan3A_47, %dma_wait3A_93, %dma_wait3A_94] : memref<2x64x128xf32, #tpu.memory_space<vmem>> -> memref<1x64x128xf32, #tpu.memory_space<vmem>>
      %dma_wait3A_96 = tpu.memref_squeeze %dma_wait3A_95 : memref<1x64x128xf32, #tpu.memory_space<vmem>> -> memref<64x128xf32, #tpu.memory_space<vmem>>
      %dma_wait3A_97 = arith.constant 0 : i32
      %dma_wait3A_98 = arith.constant 0 : i32
      %dma_wait3A_99 = tpu.memref_slice %arg5[%dma_wait3A_97, %dma_wait3A_98] : memref<1000000x128xf32, #tpu.memory_space<hbm>> -> memref<64x128xf32, #tpu.memory_space<hbm>>
      %dma_wait3A_100 = arith.constant 0 : i32
      %dma_wait3A_101 = arith.constant 0 : i32
      %dma_wait3A_102 = tpu.memref_slice %arg13[%scan3A_47, %dma_wait3A_100, %dma_wait3A_101] : memref<2x64x128xf32, #tpu.memory_space<vmem>> -> memref<1x64x128xf32, #tpu.memory_space<vmem>>
      %dma_wait3A_103 = tpu.memref_squeeze %dma_wait3A_102 : memref<1x64x128xf32, #tpu.memory_space<vmem>> -> memref<64x128xf32, #tpu.memory_space<vmem>>
      %dma_wait3A_104 = arith.constant 0 : i32
      %dma_wait3A_105 = arith.constant 0 : i32
      %dma_wait3A_106 = tpu.memref_slice %arg5[%dma_wait3A_104, %dma_wait3A_105] : memref<1000000x128xf32, #tpu.memory_space<hbm>> -> memref<64x128xf32, #tpu.memory_space<hbm>>
      tpu.wait_dma2 semaphore(%arg16 : memref<!tpu.dma_semaphore, #tpu.memory_space<semaphore_mem>>) src(%dma_wait3A_106 : memref<64x128xf32, #tpu.memory_space<hbm>>) dst(%dma_wait3A_103 : memref<64x128xf32, #tpu.memory_space<vmem>>)
      %scan3A_107 = arith.constant 0 : i32
      %scan3A_108 = arith.constant 0 : i32
      %scan3A_109 = arith.constant 64 : i32
      %scan3A_110 = arith.addi %scan3A_108, %scan3A_109 : i32
      %scan3A_111 = arith.constant 1 : i32
      %scan3A_112 = scf.for %scan3A_189 = %scan3A_108 to %scan3A_110 step %scan3A_111 iter_args(%scan3A_190 = %scan3A_107) -> (i32)  : i32 {
        %broadcast_in_dim3A = arith.constant 0.000000e+00 : f32
        %broadcast_in_dim3A_191 = vector.broadcast %broadcast_in_dim3A : f32 to vector<16xf32>
        %get3A = arith.constant 0 : i32
        %get3A_192 = arith.constant 0 : i32
        %get3A_193 = tpu.memref_slice %arg11[%scan3A_45, %get3A, %get3A_192] : memref<2x64x128xf32, #tpu.memory_space<vmem>> -> memref<1x64x128xf32, #tpu.memory_space<vmem>>
        %get3A_194 = tpu.memref_squeeze %get3A_193 : memref<1x64x128xf32, #tpu.memory_space<vmem>> -> memref<64x128xf32, #tpu.memory_space<vmem>>
        %get3A_195 = arith.index_cast %scan3A_189 : i32 to index
        %get3A_196 = arith.constant 0 : index
        %get3A_197 = tpu.vector_load %get3A_194[%get3A_195, %get3A_196] {strides = array<i32>} : memref<64x128xf32, #tpu.memory_space<vmem>>, vector<16xf32>,
        %get3A_198 = arith.constant 0 : i32
        %get3A_199 = arith.constant 0 : i32
        %get3A_200 = tpu.memref_slice %arg11[%scan3A_45, %get3A_198, %get3A_199] : memref<2x64x128xf32, #tpu.memory_space<vmem>> -> memref<1x64x128xf32, #tpu.memory_space<vmem>>
        %get3A_201 = tpu.memref_squeeze %get3A_200 : memref<1x64x128xf32, #tpu.memory_space<vmem>> -> memref<64x128xf32, #tpu.memory_space<vmem>>
        %get3A_202 = arith.index_cast %scan3A_189 : i32 to index
        %get3A_203 = arith.constant 64 : index
        %get3A_204 = tpu.vector_load %get3A_201[%get3A_202, %get3A_203] {strides = array<i32>} : memref<64x128xf32, #tpu.memory_space<vmem>>, vector<16xf32>,
        %get3A_205 = arith.constant 0 : i32
        %get3A_206 = arith.constant 0 : i32
        %get3A_207 = tpu.memref_slice %arg12[%scan3A_46, %get3A_205, %get3A_206] : memref<2x64x128xf32, #tpu.memory_space<vmem>> -> memref<1x64x128xf32, #tpu.memory_space<vmem>>
        %get3A_208 = tpu.memref_squeeze %get3A_207 : memref<1x64x128xf32, #tpu.memory_space<vmem>> -> memref<64x128xf32, #tpu.memory_space<vmem>>
        %get3A_209 = arith.index_cast %scan3A_189 : i32 to index
        %get3A_210 = arith.constant 0 : index
        %get3A_211 = tpu.vector_load %get3A_208[%get3A_209, %get3A_210] {strides = array<i32>} : memref<64x128xf32, #tpu.memory_space<vmem>>, vector<16xf32>,
        %get3A_212 = arith.constant 0 : i32
        %get3A_213 = arith.constant 0 : i32
        %get3A_214 = tpu.memref_slice %arg12[%scan3A_46, %get3A_212, %get3A_213] : memref<2x64x128xf32, #tpu.memory_space<vmem>> -> memref<1x64x128xf32, #tpu.memory_space<vmem>>
        %get3A_215 = tpu.memref_squeeze %get3A_214 : memref<1x64x128xf32, #tpu.memory_space<vmem>> -> memref<64x128xf32, #tpu.memory_space<vmem>>
        %get3A_216 = arith.index_cast %scan3A_189 : i32 to index
        %get3A_217 = arith.constant 64 : index
        %get3A_218 = tpu.vector_load %get3A_215[%get3A_216, %get3A_217] {strides = array<i32>} : memref<64x128xf32, #tpu.memory_space<vmem>>, vector<16xf32>,
        %get3A_219 = arith.constant 0 : i32
        %get3A_220 = arith.constant 0 : i32
        %get3A_221 = tpu.memref_slice %arg13[%scan3A_47, %get3A_219, %get3A_220] : memref<2x64x128xf32, #tpu.memory_space<vmem>> -> memref<1x64x128xf32, #tpu.memory_space<vmem>>
        %get3A_222 = tpu.memref_squeeze %get3A_221 : memref<1x64x128xf32, #tpu.memory_space<vmem>> -> memref<64x128xf32, #tpu.memory_space<vmem>>
        %get3A_223 = arith.index_cast %scan3A_189 : i32 to index
        %get3A_224 = arith.constant 0 : index
        %get3A_225 = tpu.vector_load %get3A_222[%get3A_223, %get3A_224] {strides = array<i32>} : memref<64x128xf32, #tpu.memory_space<vmem>>, vector<16xf32>,
        %get3A_226 = arith.constant 0 : i32
        %get3A_227 = arith.constant 0 : i32
        %get3A_228 = tpu.memref_slice %arg13[%scan3A_47, %get3A_226, %get3A_227] : memref<2x64x128xf32, #tpu.memory_space<vmem>> -> memref<1x64x128xf32, #tpu.memory_space<vmem>>
        %get3A_229 = tpu.memref_squeeze %get3A_228 : memref<1x64x128xf32, #tpu.memory_space<vmem>> -> memref<64x128xf32, #tpu.memory_space<vmem>>
        %get3A_230 = arith.index_cast %scan3A_189 : i32 to index
        %get3A_231 = arith.constant 64 : index
        %get3A_232 = tpu.vector_load %get3A_229[%get3A_230, %get3A_231] {strides = array<i32>} : memref<64x128xf32, #tpu.memory_space<vmem>>, vector<16xf32>,
        %mul3A_233 = arith.mulf %get3A_197, %get3A_225 : vector<16xf32>
        %mul3A_234 = arith.mulf %get3A_204, %get3A_232 : vector<16xf32>
        %sub3A = arith.subf %mul3A_233, %mul3A_234 : vector<16xf32>
        %sub3A_235 = arith.subf %sub3A, %get3A_211 : vector<16xf32>
        %mul3A_236 = arith.mulf %get3A_197, %get3A_232 : vector<16xf32>
        %mul3A_237 = arith.mulf %get3A_204, %get3A_225 : vector<16xf32>
        %add3A_238 = arith.addf %mul3A_236, %mul3A_237 : vector<16xf32>
        %sub3A_239 = arith.subf %add3A_238, %get3A_218 : vector<16xf32>
        %mul3A_240 = arith.mulf %sub3A_235, %sub3A_235 : vector<16xf32>
        %mul3A_241 = arith.mulf %sub3A_239, %sub3A_239 : vector<16xf32>
        %add3A_242 = arith.addf %mul3A_240, %mul3A_241 : vector<16xf32>
        %bitcast3A = vector.bitcast %add3A_242 : vector<16xf32> to vector<16xi32>
        %shift_right_arithmetic3A = arith.constant 1 : i32
        %shift_right_arithmetic3A_243 = vector.broadcast %shift_right_arithmetic3A : i32 to vector<16xi32>
        %shift_right_arithmetic3A_244 = arith.shrsi %bitcast3A, %shift_right_arithmetic3A_243 : vector<16xi32>
        %sub3A_245 = arith.constant 1597463007 : i32
        %sub3A_246 = vector.broadcast %sub3A_245 : i32 to vector<16xi32>
        %sub3A_247 = arith.subi %sub3A_246, %shift_right_arithmetic3A_244 : vector<16xi32>
        %bitcast3A_248 = vector.bitcast %sub3A_247 : vector<16xi32> to vector<16xf32>
        %mul3A_249 = arith.mulf %add3A_242, %bitcast3A_248 : vector<16xf32>
        %mul3A_250 = arith.mulf %mul3A_249, %bitcast3A_248 : vector<16xf32>
        %sub3A_251 = arith.constant 3.000000e+00 : f32
        %sub3A_252 = vector.broadcast %sub3A_251 : f32 to vector<16xf32>
        %sub3A_253 = arith.subf %sub3A_252, %mul3A_250 : vector<16xf32>
        %mul3A_254 = arith.mulf %bitcast3A_248, %sub3A_253 : vector<16xf32>
        %mul3A_255 = arith.mulf %add3A_242, %mul3A_254 : vector<16xf32>
        %add3A_256 = arith.addf %broadcast_in_dim3A_191, %mul3A_255 : vector<16xf32>
        %get3A_257 = arith.constant 0 : i32
        %get3A_258 = arith.constant 0 : i32
        %get3A_259 = tpu.memref_slice %arg11[%scan3A_45, %get3A_257, %get3A_258] : memref<2x64x128xf32, #tpu.memory_space<vmem>> -> memref<1x64x128xf32, #tpu.memory_space<vmem>>
        %get3A_260 = tpu.memref_squeeze %get3A_259 : memref<1x64x128xf32, #tpu.memory_space<vmem>> -> memref<64x128xf32, #tpu.memory_space<vmem>>
        %get3A_261 = arith.index_cast %scan3A_189 : i32 to index
        %get3A_262 = arith.constant 16 : index
        %get3A_263 = tpu.vector_load %get3A_260[%get3A_261, %get3A_262] {strides = array<i32>} : memref<64x128xf32, #tpu.memory_space<vmem>>, vector<16xf32>,
        %get3A_264 = arith.constant 0 : i32
        %get3A_265 = arith.constant 0 : i32
        %get3A_266 = tpu.memref_slice %arg11[%scan3A_45, %get3A_264, %get3A_265] : memref<2x64x128xf32, #tpu.memory_space<vmem>> -> memref<1x64x128xf32, #tpu.memory_space<vmem>>
        %get3A_267 = tpu.memref_squeeze %get3A_266 : memref<1x64x128xf32, #tpu.memory_space<vmem>> -> memref<64x128xf32, #tpu.memory_space<vmem>>
        %get3A_268 = arith.index_cast %scan3A_189 : i32 to index
        %get3A_269 = arith.constant 80 : index
        %get3A_270 = tpu.vector_load %get3A_267[%get3A_268, %get3A_269] {strides = array<i32>} : memref<64x128xf32, #tpu.memory_space<vmem>>, vector<16xf32>,
        %get3A_271 = arith.constant 0 : i32
        %get3A_272 = arith.constant 0 : i32
        %get3A_273 = tpu.memref_slice %arg12[%scan3A_46, %get3A_271, %get3A_272] : memref<2x64x128xf32, #tpu.memory_space<vmem>> -> memref<1x64x128xf32, #tpu.memory_space<vmem>>
        %get3A_274 = tpu.memref_squeeze %get3A_273 : memref<1x64x128xf32, #tpu.memory_space<vmem>> -> memref<64x128xf32, #tpu.memory_space<vmem>>
        %get3A_275 = arith.index_cast %scan3A_189 : i32 to index
        %get3A_276 = arith.constant 16 : index
        %get3A_277 = tpu.vector_load %get3A_274[%get3A_275, %get3A_276] {strides = array<i32>} : memref<64x128xf32, #tpu.memory_space<vmem>>, vector<16xf32>,
        %get3A_278 = arith.constant 0 : i32
        %get3A_279 = arith.constant 0 : i32
        %get3A_280 = tpu.memref_slice %arg12[%scan3A_46, %get3A_278, %get3A_279] : memref<2x64x128xf32, #tpu.memory_space<vmem>> -> memref<1x64x128xf32, #tpu.memory_space<vmem>>
        %get3A_281 = tpu.memref_squeeze %get3A_280 : memref<1x64x128xf32, #tpu.memory_space<vmem>> -> memref<64x128xf32, #tpu.memory_space<vmem>>
        %get3A_282 = arith.index_cast %scan3A_189 : i32 to index
        %get3A_283 = arith.constant 80 : index
        %get3A_284 = tpu.vector_load %get3A_281[%get3A_282, %get3A_283] {strides = array<i32>} : memref<64x128xf32, #tpu.memory_space<vmem>>, vector<16xf32>,
        %get3A_285 = arith.constant 0 : i32
        %get3A_286 = arith.constant 0 : i32
        %get3A_287 = tpu.memref_slice %arg13[%scan3A_47, %get3A_285, %get3A_286] : memref<2x64x128xf32, #tpu.memory_space<vmem>> -> memref<1x64x128xf32, #tpu.memory_space<vmem>>
        %get3A_288 = tpu.memref_squeeze %get3A_287 : memref<1x64x128xf32, #tpu.memory_space<vmem>> -> memref<64x128xf32, #tpu.memory_space<vmem>>
        %get3A_289 = arith.index_cast %scan3A_189 : i32 to index
        %get3A_290 = arith.constant 16 : index
        %get3A_291 = tpu.vector_load %get3A_288[%get3A_289, %get3A_290] {strides = array<i32>} : memref<64x128xf32, #tpu.memory_space<vmem>>, vector<16xf32>,
        %get3A_292 = arith.constant 0 : i32
        %get3A_293 = arith.constant 0 : i32
        %get3A_294 = tpu.memref_slice %arg13[%scan3A_47, %get3A_292, %get3A_293] : memref<2x64x128xf32, #tpu.memory_space<vmem>> -> memref<1x64x128xf32, #tpu.memory_space<vmem>>
        %get3A_295 = tpu.memref_squeeze %get3A_294 : memref<1x64x128xf32, #tpu.memory_space<vmem>> -> memref<64x128xf32, #tpu.memory_space<vmem>>
        %get3A_296 = arith.index_cast %scan3A_189 : i32 to index
        %get3A_297 = arith.constant 80 : index
        %get3A_298 = tpu.vector_load %get3A_295[%get3A_296, %get3A_297] {strides = array<i32>} : memref<64x128xf32, #tpu.memory_space<vmem>>, vector<16xf32>,
        %mul3A_299 = arith.mulf %get3A_263, %get3A_291 : vector<16xf32>
        %mul3A_300 = arith.mulf %get3A_270, %get3A_298 : vector<16xf32>
        %sub3A_301 = arith.subf %mul3A_299, %mul3A_300 : vector<16xf32>
        %sub3A_302 = arith.subf %sub3A_301, %get3A_277 : vector<16xf32>
        %mul3A_303 = arith.mulf %get3A_263, %get3A_298 : vector<16xf32>
        %mul3A_304 = arith.mulf %get3A_270, %get3A_291 : vector<16xf32>
        %add3A_305 = arith.addf %mul3A_303, %mul3A_304 : vector<16xf32>
        %sub3A_306 = arith.subf %add3A_305, %get3A_284 : vector<16xf32>
        %mul3A_307 = arith.mulf %sub3A_302, %sub3A_302 : vector<16xf32>
        %mul3A_308 = arith.mulf %sub3A_306, %sub3A_306 : vector<16xf32>
        %add3A_309 = arith.addf %mul3A_307, %mul3A_308 : vector<16xf32>
        %bitcast3A_310 = vector.bitcast %add3A_309 : vector<16xf32> to vector<16xi32>
        %shift_right_arithmetic3A_311 = arith.constant 1 : i32
        %shift_right_arithmetic3A_312 = vector.broadcast %shift_right_arithmetic3A_311 : i32 to vector<16xi32>
        %shift_right_arithmetic3A_313 = arith.shrsi %bitcast3A_310, %shift_right_arithmetic3A_312 : vector<16xi32>
        %sub3A_314 = arith.constant 1597463007 : i32
        %sub3A_315 = vector.broadcast %sub3A_314 : i32 to vector<16xi32>
        %sub3A_316 = arith.subi %sub3A_315, %shift_right_arithmetic3A_313 : vector<16xi32>
        %bitcast3A_317 = vector.bitcast %sub3A_316 : vector<16xi32> to vector<16xf32>
        %mul3A_318 = arith.mulf %add3A_309, %bitcast3A_317 : vector<16xf32>
        %mul3A_319 = arith.mulf %mul3A_318, %bitcast3A_317 : vector<16xf32>
        %sub3A_320 = arith.constant 3.000000e+00 : f32
        %sub3A_321 = vector.broadcast %sub3A_320 : f32 to vector<16xf32>
        %sub3A_322 = arith.subf %sub3A_321, %mul3A_319 : vector<16xf32>
        %mul3A_323 = arith.mulf %bitcast3A_317, %sub3A_322 : vector<16xf32>
        %mul3A_324 = arith.mulf %add3A_309, %mul3A_323 : vector<16xf32>
        %add3A_325 = arith.addf %add3A_256, %mul3A_324 : vector<16xf32>
        %get3A_326 = arith.constant 0 : i32
        %get3A_327 = arith.constant 0 : i32
        %get3A_328 = tpu.memref_slice %arg11[%scan3A_45, %get3A_326, %get3A_327] : memref<2x64x128xf32, #tpu.memory_space<vmem>> -> memref<1x64x128xf32, #tpu.memory_space<vmem>>
        %get3A_329 = tpu.memref_squeeze %get3A_328 : memref<1x64x128xf32, #tpu.memory_space<vmem>> -> memref<64x128xf32, #tpu.memory_space<vmem>>
        %get3A_330 = arith.index_cast %scan3A_189 : i32 to index
        %get3A_331 = arith.constant 32 : index
        %get3A_332 = tpu.vector_load %get3A_329[%get3A_330, %get3A_331] {strides = array<i32>} : memref<64x128xf32, #tpu.memory_space<vmem>>, vector<16xf32>,
        %get3A_333 = arith.constant 0 : i32
        %get3A_334 = arith.constant 0 : i32
        %get3A_335 = tpu.memref_slice %arg11[%scan3A_45, %get3A_333, %get3A_334] : memref<2x64x128xf32, #tpu.memory_space<vmem>> -> memref<1x64x128xf32, #tpu.memory_space<vmem>>
        %get3A_336 = tpu.memref_squeeze %get3A_335 : memref<1x64x128xf32, #tpu.memory_space<vmem>> -> memref<64x128xf32, #tpu.memory_space<vmem>>
        %get3A_337 = arith.index_cast %scan3A_189 : i32 to index
        %get3A_338 = arith.constant 96 : index
        %get3A_339 = tpu.vector_load %get3A_336[%get3A_337, %get3A_338] {strides = array<i32>} : memref<64x128xf32, #tpu.memory_space<vmem>>, vector<16xf32>,
        %get3A_340 = arith.constant 0 : i32
        %get3A_341 = arith.constant 0 : i32
        %get3A_342 = tpu.memref_slice %arg12[%scan3A_46, %get3A_340, %get3A_341] : memref<2x64x128xf32, #tpu.memory_space<vmem>> -> memref<1x64x128xf32, #tpu.memory_space<vmem>>
        %get3A_343 = tpu.memref_squeeze %get3A_342 : memref<1x64x128xf32, #tpu.memory_space<vmem>> -> memref<64x128xf32, #tpu.memory_space<vmem>>
        %get3A_344 = arith.index_cast %scan3A_189 : i32 to index
        %get3A_345 = arith.constant 32 : index
        %get3A_346 = tpu.vector_load %get3A_343[%get3A_344, %get3A_345] {strides = array<i32>} : memref<64x128xf32, #tpu.memory_space<vmem>>, vector<16xf32>,
        %get3A_347 = arith.constant 0 : i32
        %get3A_348 = arith.constant 0 : i32
        %get3A_349 = tpu.memref_slice %arg12[%scan3A_46, %get3A_347, %get3A_348] : memref<2x64x128xf32, #tpu.memory_space<vmem>> -> memref<1x64x128xf32, #tpu.memory_space<vmem>>
        %get3A_350 = tpu.memref_squeeze %get3A_349 : memref<1x64x128xf32, #tpu.memory_space<vmem>> -> memref<64x128xf32, #tpu.memory_space<vmem>>
        %get3A_351 = arith.index_cast %scan3A_189 : i32 to index
        %get3A_352 = arith.constant 96 : index
        %get3A_353 = tpu.vector_load %get3A_350[%get3A_351, %get3A_352] {strides = array<i32>} : memref<64x128xf32, #tpu.memory_space<vmem>>, vector<16xf32>,
        %get3A_354 = arith.constant 0 : i32
        %get3A_355 = arith.constant 0 : i32
        %get3A_356 = tpu.memref_slice %arg13[%scan3A_47, %get3A_354, %get3A_355] : memref<2x64x128xf32, #tpu.memory_space<vmem>> -> memref<1x64x128xf32, #tpu.memory_space<vmem>>
        %get3A_357 = tpu.memref_squeeze %get3A_356 : memref<1x64x128xf32, #tpu.memory_space<vmem>> -> memref<64x128xf32, #tpu.memory_space<vmem>>
        %get3A_358 = arith.index_cast %scan3A_189 : i32 to index
        %get3A_359 = arith.constant 32 : index
        %get3A_360 = tpu.vector_load %get3A_357[%get3A_358, %get3A_359] {strides = array<i32>} : memref<64x128xf32, #tpu.memory_space<vmem>>, vector<16xf32>,
        %get3A_361 = arith.constant 0 : i32
        %get3A_362 = arith.constant 0 : i32
        %get3A_363 = tpu.memref_slice %arg13[%scan3A_47, %get3A_361, %get3A_362] : memref<2x64x128xf32, #tpu.memory_space<vmem>> -> memref<1x64x128xf32, #tpu.memory_space<vmem>>
        %get3A_364 = tpu.memref_squeeze %get3A_363 : memref<1x64x128xf32, #tpu.memory_space<vmem>> -> memref<64x128xf32, #tpu.memory_space<vmem>>
        %get3A_365 = arith.index_cast %scan3A_189 : i32 to index
        %get3A_366 = arith.constant 96 : index
        %get3A_367 = tpu.vector_load %get3A_364[%get3A_365, %get3A_366] {strides = array<i32>} : memref<64x128xf32, #tpu.memory_space<vmem>>, vector<16xf32>,
        %mul3A_368 = arith.mulf %get3A_332, %get3A_360 : vector<16xf32>
        %mul3A_369 = arith.mulf %get3A_339, %get3A_367 : vector<16xf32>
        %sub3A_370 = arith.subf %mul3A_368, %mul3A_369 : vector<16xf32>
        %sub3A_371 = arith.subf %sub3A_370, %get3A_346 : vector<16xf32>
        %mul3A_372 = arith.mulf %get3A_332, %get3A_367 : vector<16xf32>
        %mul3A_373 = arith.mulf %get3A_339, %get3A_360 : vector<16xf32>
        %add3A_374 = arith.addf %mul3A_372, %mul3A_373 : vector<16xf32>
        %sub3A_375 = arith.subf %add3A_374, %get3A_353 : vector<16xf32>
        %mul3A_376 = arith.mulf %sub3A_371, %sub3A_371 : vector<16xf32>
        %mul3A_377 = arith.mulf %sub3A_375, %sub3A_375 : vector<16xf32>
        %add3A_378 = arith.addf %mul3A_376, %mul3A_377 : vector<16xf32>
        %bitcast3A_379 = vector.bitcast %add3A_378 : vector<16xf32> to vector<16xi32>
        %shift_right_arithmetic3A_380 = arith.constant 1 : i32
        %shift_right_arithmetic3A_381 = vector.broadcast %shift_right_arithmetic3A_380 : i32 to vector<16xi32>
        %shift_right_arithmetic3A_382 = arith.shrsi %bitcast3A_379, %shift_right_arithmetic3A_381 : vector<16xi32>
        %sub3A_383 = arith.constant 1597463007 : i32
        %sub3A_384 = vector.broadcast %sub3A_383 : i32 to vector<16xi32>
        %sub3A_385 = arith.subi %sub3A_384, %shift_right_arithmetic3A_382 : vector<16xi32>
        %bitcast3A_386 = vector.bitcast %sub3A_385 : vector<16xi32> to vector<16xf32>
        %mul3A_387 = arith.mulf %add3A_378, %bitcast3A_386 : vector<16xf32>
        %mul3A_388 = arith.mulf %mul3A_387, %bitcast3A_386 : vector<16xf32>
        %sub3A_389 = arith.constant 3.000000e+00 : f32
        %sub3A_390 = vector.broadcast %sub3A_389 : f32 to vector<16xf32>
        %sub3A_391 = arith.subf %sub3A_390, %mul3A_388 : vector<16xf32>
        %mul3A_392 = arith.mulf %bitcast3A_386, %sub3A_391 : vector<16xf32>
        %mul3A_393 = arith.mulf %add3A_378, %mul3A_392 : vector<16xf32>
        %add3A_394 = arith.addf %add3A_325, %mul3A_393 : vector<16xf32>
        %get3A_395 = arith.constant 0 : i32
        %get3A_396 = arith.constant 0 : i32
        %get3A_397 = tpu.memref_slice %arg11[%scan3A_45, %get3A_395, %get3A_396] : memref<2x64x128xf32, #tpu.memory_space<vmem>> -> memref<1x64x128xf32, #tpu.memory_space<vmem>>
        %get3A_398 = tpu.memref_squeeze %get3A_397 : memref<1x64x128xf32, #tpu.memory_space<vmem>> -> memref<64x128xf32, #tpu.memory_space<vmem>>
        %get3A_399 = arith.index_cast %scan3A_189 : i32 to index
        %get3A_400 = arith.constant 48 : index
        %get3A_401 = tpu.vector_load %get3A_398[%get3A_399, %get3A_400] {strides = array<i32>} : memref<64x128xf32, #tpu.memory_space<vmem>>, vector<16xf32>,
        %get3A_402 = arith.constant 0 : i32
        %get3A_403 = arith.constant 0 : i32
        %get3A_404 = tpu.memref_slice %arg11[%scan3A_45, %get3A_402, %get3A_403] : memref<2x64x128xf32, #tpu.memory_space<vmem>> -> memref<1x64x128xf32, #tpu.memory_space<vmem>>
        %get3A_405 = tpu.memref_squeeze %get3A_404 : memref<1x64x128xf32, #tpu.memory_space<vmem>> -> memref<64x128xf32, #tpu.memory_space<vmem>>
        %get3A_406 = arith.index_cast %scan3A_189 : i32 to index
        %get3A_407 = arith.constant 112 : index
        %get3A_408 = tpu.vector_load %get3A_405[%get3A_406, %get3A_407] {strides = array<i32>} : memref<64x128xf32, #tpu.memory_space<vmem>>, vector<16xf32>,
        %get3A_409 = arith.constant 0 : i32
        %get3A_410 = arith.constant 0 : i32
        %get3A_411 = tpu.memref_slice %arg12[%scan3A_46, %get3A_409, %get3A_410] : memref<2x64x128xf32, #tpu.memory_space<vmem>> -> memref<1x64x128xf32, #tpu.memory_space<vmem>>
        %get3A_412 = tpu.memref_squeeze %get3A_411 : memref<1x64x128xf32, #tpu.memory_space<vmem>> -> memref<64x128xf32, #tpu.memory_space<vmem>>
        %get3A_413 = arith.index_cast %scan3A_189 : i32 to index
        %get3A_414 = arith.constant 48 : index
        %get3A_415 = tpu.vector_load %get3A_412[%get3A_413, %get3A_414] {strides = array<i32>} : memref<64x128xf32, #tpu.memory_space<vmem>>, vector<16xf32>,
        %get3A_416 = arith.constant 0 : i32
        %get3A_417 = arith.constant 0 : i32
        %get3A_418 = tpu.memref_slice %arg12[%scan3A_46, %get3A_416, %get3A_417] : memref<2x64x128xf32, #tpu.memory_space<vmem>> -> memref<1x64x128xf32, #tpu.memory_space<vmem>>
        %get3A_419 = tpu.memref_squeeze %get3A_418 : memref<1x64x128xf32, #tpu.memory_space<vmem>> -> memref<64x128xf32, #tpu.memory_space<vmem>>
        %get3A_420 = arith.index_cast %scan3A_189 : i32 to index
        %get3A_421 = arith.constant 112 : index
        %get3A_422 = tpu.vector_load %get3A_419[%get3A_420, %get3A_421] {strides = array<i32>} : memref<64x128xf32, #tpu.memory_space<vmem>>, vector<16xf32>,
        %get3A_423 = arith.constant 0 : i32
        %get3A_424 = arith.constant 0 : i32
        %get3A_425 = tpu.memref_slice %arg13[%scan3A_47, %get3A_423, %get3A_424] : memref<2x64x128xf32, #tpu.memory_space<vmem>> -> memref<1x64x128xf32, #tpu.memory_space<vmem>>
        %get3A_426 = tpu.memref_squeeze %get3A_425 : memref<1x64x128xf32, #tpu.memory_space<vmem>> -> memref<64x128xf32, #tpu.memory_space<vmem>>
        %get3A_427 = arith.index_cast %scan3A_189 : i32 to index
        %get3A_428 = arith.constant 48 : index
        %get3A_429 = tpu.vector_load %get3A_426[%get3A_427, %get3A_428] {strides = array<i32>} : memref<64x128xf32, #tpu.memory_space<vmem>>, vector<16xf32>,
        %get3A_430 = arith.constant 0 : i32
        %get3A_431 = arith.constant 0 : i32
        %get3A_432 = tpu.memref_slice %arg13[%scan3A_47, %get3A_430, %get3A_431] : memref<2x64x128xf32, #tpu.memory_space<vmem>> -> memref<1x64x128xf32, #tpu.memory_space<vmem>>
        %get3A_433 = tpu.memref_squeeze %get3A_432 : memref<1x64x128xf32, #tpu.memory_space<vmem>> -> memref<64x128xf32, #tpu.memory_space<vmem>>
        %get3A_434 = arith.index_cast %scan3A_189 : i32 to index
        %get3A_435 = arith.constant 112 : index
        %get3A_436 = tpu.vector_load %get3A_433[%get3A_434, %get3A_435] {strides = array<i32>} : memref<64x128xf32, #tpu.memory_space<vmem>>, vector<16xf32>,
        %mul3A_437 = arith.mulf %get3A_401, %get3A_429 : vector<16xf32>
        %mul3A_438 = arith.mulf %get3A_408, %get3A_436 : vector<16xf32>
        %sub3A_439 = arith.subf %mul3A_437, %mul3A_438 : vector<16xf32>
        %sub3A_440 = arith.subf %sub3A_439, %get3A_415 : vector<16xf32>
        %mul3A_441 = arith.mulf %get3A_401, %get3A_436 : vector<16xf32>
        %mul3A_442 = arith.mulf %get3A_408, %get3A_429 : vector<16xf32>
        %add3A_443 = arith.addf %mul3A_441, %mul3A_442 : vector<16xf32>
        %sub3A_444 = arith.subf %add3A_443, %get3A_422 : vector<16xf32>
        %mul3A_445 = arith.mulf %sub3A_440, %sub3A_440 : vector<16xf32>
        %mul3A_446 = arith.mulf %sub3A_444, %sub3A_444 : vector<16xf32>
        %add3A_447 = arith.addf %mul3A_445, %mul3A_446 : vector<16xf32>
        %bitcast3A_448 = vector.bitcast %add3A_447 : vector<16xf32> to vector<16xi32>
        %shift_right_arithmetic3A_449 = arith.constant 1 : i32
        %shift_right_arithmetic3A_450 = vector.broadcast %shift_right_arithmetic3A_449 : i32 to vector<16xi32>
        %shift_right_arithmetic3A_451 = arith.shrsi %bitcast3A_448, %shift_right_arithmetic3A_450 : vector<16xi32>
        %sub3A_452 = arith.constant 1597463007 : i32
        %sub3A_453 = vector.broadcast %sub3A_452 : i32 to vector<16xi32>
        %sub3A_454 = arith.subi %sub3A_453, %shift_right_arithmetic3A_451 : vector<16xi32>
        %bitcast3A_455 = vector.bitcast %sub3A_454 : vector<16xi32> to vector<16xf32>
        %mul3A_456 = arith.mulf %add3A_447, %bitcast3A_455 : vector<16xf32>
        %mul3A_457 = arith.mulf %mul3A_456, %bitcast3A_455 : vector<16xf32>
        %sub3A_458 = arith.constant 3.000000e+00 : f32
        %sub3A_459 = vector.broadcast %sub3A_458 : f32 to vector<16xf32>
        %sub3A_460 = arith.subf %sub3A_459, %mul3A_457 : vector<16xf32>
        %mul3A_461 = arith.mulf %bitcast3A_455, %sub3A_460 : vector<16xf32>
        %mul3A_462 = arith.mulf %add3A_447, %mul3A_461 : vector<16xf32>
        %add3A_463 = arith.addf %add3A_394, %mul3A_462 : vector<16xf32>
        %swap3A = arith.index_cast %scan3A_189 : i32 to index
        %swap3A_464 = arith.constant 0 : index
        %swap3A_465 = tpu.vector_load %arg14[%swap3A, %swap3A_464] {strides = array<i32>} : memref<64x16xf32, #tpu.memory_space<vmem>>, vector<16xf32>,
        tpu.vector_store %arg14[%swap3A, %swap3A_464], %add3A_463 {strides = array<i32>} : memref<64x16xf32, #tpu.memory_space<vmem>>, vector<16xf32>,
        %scan3A_466 = arith.constant 0 : i32
        scf.yield %scan3A_466 : i32
      }
      %scan3A_113 = arith.constant 64 : i32
      %scan3A_114 = arith.constant 0 : i32
      %scan3A_115 = arith.constant 0 : i32
      %scan3A_116 = arith.constant 4 : i32
      %scan3A_117 = arith.addi %scan3A_115, %scan3A_116 : i32
      %scan3A_118 = arith.constant 1 : i32
      %scan3A_119 = scf.for %scan3A_189 = %scan3A_115 to %scan3A_117 step %scan3A_118 iter_args(%scan3A_190 = %scan3A_114) -> (i32)  : i32 {
        %mul3A_191 = arith.constant 16 : i32
        %mul3A_192 = arith.muli %scan3A_189, %mul3A_191 : i32
        %iota3A = tpu.iota {dimensions = array<i32: 0>} : vector<16xi32>
        %add3A_193 = vector.broadcast %mul3A_192 : i32 to vector<16xi32>
        %add3A_194 = arith.addi %add3A_193, %iota3A : vector<16xi32>
        %broadcast_in_dim3A = arith.constant 0.000000e+00 : f32
        %broadcast_in_dim3A_195 = vector.broadcast %broadcast_in_dim3A : f32 to vector<16xf32>
        %broadcast_in_dim3A_196 = arith.constant 0 : i32
        %broadcast_in_dim3A_197 = vector.broadcast %broadcast_in_dim3A_196 : i32 to vector<16xi32>
        %gather3A = tpu.vector_load_idx %arg14[%add3A_194, %broadcast_in_dim3A_197] : memref<64x16xf32, #tpu.memory_space<vmem>>[vector<16xi32>, vector<16xi32>], vector<16xf32>,
        %add3A_198 = arith.addf %broadcast_in_dim3A_195, %gather3A : vector<16xf32>
        %broadcast_in_dim3A_199 = arith.constant 1 : i32
        %broadcast_in_dim3A_200 = vector.broadcast %broadcast_in_dim3A_199 : i32 to vector<16xi32>
        %gather3A_201 = tpu.vector_load_idx %arg14[%add3A_194, %broadcast_in_dim3A_200] : memref<64x16xf32, #tpu.memory_space<vmem>>[vector<16xi32>, vector<16xi32>], vector<16xf32>,
        %add3A_202 = arith.addf %add3A_198, %gather3A_201 : vector<16xf32>
        %broadcast_in_dim3A_203 = arith.constant 2 : i32
        %broadcast_in_dim3A_204 = vector.broadcast %broadcast_in_dim3A_203 : i32 to vector<16xi32>
        %gather3A_205 = tpu.vector_load_idx %arg14[%add3A_194, %broadcast_in_dim3A_204] : memref<64x16xf32, #tpu.memory_space<vmem>>[vector<16xi32>, vector<16xi32>], vector<16xf32>,
        %add3A_206 = arith.addf %add3A_202, %gather3A_205 : vector<16xf32>
        %broadcast_in_dim3A_207 = arith.constant 3 : i32
        %broadcast_in_dim3A_208 = vector.broadcast %broadcast_in_dim3A_207 : i32 to vector<16xi32>
        %gather3A_209 = tpu.vector_load_idx %arg14[%add3A_194, %broadcast_in_dim3A_208] : memref<64x16xf32, #tpu.memory_space<vmem>>[vector<16xi32>, vector<16xi32>], vector<16xf32>,
        %add3A_210 = arith.addf %add3A_206, %gather3A_209 : vector<16xf32>
        %broadcast_in_dim3A_211 = arith.constant 4 : i32
        %broadcast_in_dim3A_212 = vector.broadcast %broadcast_in_dim3A_211 : i32 to vector<16xi32>
        %gather3A_213 = tpu.vector_load_idx %arg14[%add3A_194, %broadcast_in_dim3A_212] : memref<64x16xf32, #tpu.memory_space<vmem>>[vector<16xi32>, vector<16xi32>], vector<16xf32>,
        %add3A_214 = arith.addf %add3A_210, %gather3A_213 : vector<16xf32>
        %broadcast_in_dim3A_215 = arith.constant 5 : i32
        %broadcast_in_dim3A_216 = vector.broadcast %broadcast_in_dim3A_215 : i32 to vector<16xi32>
        %gather3A_217 = tpu.vector_load_idx %arg14[%add3A_194, %broadcast_in_dim3A_216] : memref<64x16xf32, #tpu.memory_space<vmem>>[vector<16xi32>, vector<16xi32>], vector<16xf32>,
        %add3A_218 = arith.addf %add3A_214, %gather3A_217 : vector<16xf32>
        %broadcast_in_dim3A_219 = arith.constant 6 : i32
        %broadcast_in_dim3A_220 = vector.broadcast %broadcast_in_dim3A_219 : i32 to vector<16xi32>
        %gather3A_221 = tpu.vector_load_idx %arg14[%add3A_194, %broadcast_in_dim3A_220] : memref<64x16xf32, #tpu.memory_space<vmem>>[vector<16xi32>, vector<16xi32>], vector<16xf32>,
        %add3A_222 = arith.addf %add3A_218, %gather3A_221 : vector<16xf32>
        %broadcast_in_dim3A_223 = arith.constant 7 : i32
        %broadcast_in_dim3A_224 = vector.broadcast %broadcast_in_dim3A_223 : i32 to vector<16xi32>
        %gather3A_225 = tpu.vector_load_idx %arg14[%add3A_194, %broadcast_in_dim3A_224] : memref<64x16xf32, #tpu.memory_space<vmem>>[vector<16xi32>, vector<16xi32>], vector<16xf32>,
        %add3A_226 = arith.addf %add3A_222, %gather3A_225 : vector<16xf32>
        %broadcast_in_dim3A_227 = arith.constant 8 : i32
        %broadcast_in_dim3A_228 = vector.broadcast %broadcast_in_dim3A_227 : i32 to vector<16xi32>
        %gather3A_229 = tpu.vector_load_idx %arg14[%add3A_194, %broadcast_in_dim3A_228] : memref<64x16xf32, #tpu.memory_space<vmem>>[vector<16xi32>, vector<16xi32>], vector<16xf32>,
        %add3A_230 = arith.addf %add3A_226, %gather3A_229 : vector<16xf32>
        %broadcast_in_dim3A_231 = arith.constant 9 : i32
        %broadcast_in_dim3A_232 = vector.broadcast %broadcast_in_dim3A_231 : i32 to vector<16xi32>
        %gather3A_233 = tpu.vector_load_idx %arg14[%add3A_194, %broadcast_in_dim3A_232] : memref<64x16xf32, #tpu.memory_space<vmem>>[vector<16xi32>, vector<16xi32>], vector<16xf32>,
        %add3A_234 = arith.addf %add3A_230, %gather3A_233 : vector<16xf32>
        %broadcast_in_dim3A_235 = arith.constant 10 : i32
        %broadcast_in_dim3A_236 = vector.broadcast %broadcast_in_dim3A_235 : i32 to vector<16xi32>
        %gather3A_237 = tpu.vector_load_idx %arg14[%add3A_194, %broadcast_in_dim3A_236] : memref<64x16xf32, #tpu.memory_space<vmem>>[vector<16xi32>, vector<16xi32>], vector<16xf32>,
        %add3A_238 = arith.addf %add3A_234, %gather3A_237 : vector<16xf32>
        %broadcast_in_dim3A_239 = arith.constant 11 : i32
        %broadcast_in_dim3A_240 = vector.broadcast %broadcast_in_dim3A_239 : i32 to vector<16xi32>
        %gather3A_241 = tpu.vector_load_idx %arg14[%add3A_194, %broadcast_in_dim3A_240] : memref<64x16xf32, #tpu.memory_space<vmem>>[vector<16xi32>, vector<16xi32>], vector<16xf32>,
        %add3A_242 = arith.addf %add3A_238, %gather3A_241 : vector<16xf32>
        %broadcast_in_dim3A_243 = arith.constant 12 : i32
        %broadcast_in_dim3A_244 = vector.broadcast %broadcast_in_dim3A_243 : i32 to vector<16xi32>
        %gather3A_245 = tpu.vector_load_idx %arg14[%add3A_194, %broadcast_in_dim3A_244] : memref<64x16xf32, #tpu.memory_space<vmem>>[vector<16xi32>, vector<16xi32>], vector<16xf32>,
        %add3A_246 = arith.addf %add3A_242, %gather3A_245 : vector<16xf32>
        %broadcast_in_dim3A_247 = arith.constant 13 : i32
        %broadcast_in_dim3A_248 = vector.broadcast %broadcast_in_dim3A_247 : i32 to vector<16xi32>
        %gather3A_249 = tpu.vector_load_idx %arg14[%add3A_194, %broadcast_in_dim3A_248] : memref<64x16xf32, #tpu.memory_space<vmem>>[vector<16xi32>, vector<16xi32>], vector<16xf32>,
        %add3A_250 = arith.addf %add3A_246, %gather3A_249 : vector<16xf32>
        %broadcast_in_dim3A_251 = arith.constant 14 : i32
        %broadcast_in_dim3A_252 = vector.broadcast %broadcast_in_dim3A_251 : i32 to vector<16xi32>
        %gather3A_253 = tpu.vector_load_idx %arg14[%add3A_194, %broadcast_in_dim3A_252] : memref<64x16xf32, #tpu.memory_space<vmem>>[vector<16xi32>, vector<16xi32>], vector<16xf32>,
        %add3A_254 = arith.addf %add3A_250, %gather3A_253 : vector<16xf32>
        %broadcast_in_dim3A_255 = arith.constant 15 : i32
        %broadcast_in_dim3A_256 = vector.broadcast %broadcast_in_dim3A_255 : i32 to vector<16xi32>
        %gather3A_257 = tpu.vector_load_idx %arg14[%add3A_194, %broadcast_in_dim3A_256] : memref<64x16xf32, #tpu.memory_space<vmem>>[vector<16xi32>, vector<16xi32>], vector<16xf32>,
        %add3A_258 = arith.addf %add3A_254, %gather3A_257 : vector<16xf32>
        %mul3A_259 = arith.constant -5.000000e-01 : f32
        %mul3A_260 = vector.broadcast %mul3A_259 : f32 to vector<16xf32>
        %mul3A_261 = arith.mulf %add3A_258, %mul3A_260 : vector<16xf32>
        %mul3A_262 = arith.constant 64 : i32
        %mul3A_263 = arith.muli %add3A_60, %mul3A_262 : i32
        %mul3A_264 = arith.constant 16 : i32
        %mul3A_265 = arith.muli %scan3A_189, %mul3A_264 : i32
        %add3A_266 = arith.addi %mul3A_263, %mul3A_265 : i32
        %swap3A = arith.index_cast %add3A_266 : i32 to index
        %swap3A_267 = tpu.vector_load %arg15[%swap3A] {strides = array<i32>} : memref<512xf32, #tpu.memory_space<vmem>>, vector<16xf32>,
        tpu.vector_store %arg15[%swap3A], %mul3A_261 {strides = array<i32>} : memref<512xf32, #tpu.memory_space<vmem>>, vector<16xf32>,
        %scan3A_268 = arith.constant 0 : i32
        scf.yield %scan3A_268 : i32
      }
      %scan3A_120 = arith.constant 4 : i32
      %mul3A_121 = arith.constant 2 : i32
      %mul3A_122 = arith.muli %scan3A_55, %mul3A_121 : i32
      %add3A_123 = arith.constant 1 : i32
      %add3A_124 = arith.addi %mul3A_122, %add3A_123 : i32
      %add3A_125 = arith.constant 1 : i32
      %add3A_126 = arith.addi %add3A_124, %add3A_125 : i32
      %lt3A_127 = arith.constant 8 : i32
      %lt3A_128 = arith.cmpi slt, %add3A_126, %lt3A_127 : i32
      %convert_element_type3A_129 = arith.extui %lt3A_128 : i1 to i32
      %cond3A_130 = arith.constant 0 : i32
      %cond3A_131 = arith.cmpi ne, %convert_element_type3A_129, %cond3A_130 : i32
      scf.if %cond3A_131 {
        %add3A_189 = arith.constant 1 : i32
        %add3A_190 = arith.addi %add3A_124, %add3A_189 : i32
        %mul3A_191 = arith.constant 64 : i32
        %mul3A_192 = arith.muli %add3A_190, %mul3A_191 : i32
        %dma_start3A_193 = arith.constant 0 : i32
        %dma_start3A_194 = arith.constant 0 : i32
        %dma_start3A_195 = tpu.memref_slice %arg11[%scan3A_45, %dma_start3A_193, %dma_start3A_194] : memref<2x64x128xf32, #tpu.memory_space<vmem>> -> memref<1x64x128xf32, #tpu.memory_space<vmem>>
        %dma_start3A_196 = tpu.memref_squeeze %dma_start3A_195 : memref<1x64x128xf32, #tpu.memory_space<vmem>> -> memref<64x128xf32, #tpu.memory_space<vmem>>
        %dma_start3A_197 = tpu.memref_slice %arg8[%mul3A_192] : memref<512xi32, #tpu.memory_space<vmem>> -> memref<64xi32, #tpu.memory_space<vmem>>
        %dma_start3A_198 = arith.constant 0 : i32
        %dma_start3A_199 = arith.constant 0 : i32
        %dma_start3A_200 = tpu.memref_slice %arg5[%dma_start3A_198, %dma_start3A_199] : memref<1000000x128xf32, #tpu.memory_space<hbm>> -> memref<1000000x128xf32, #tpu.memory_space<hbm>>
        tpu.enqueue_indirect_dma source(%dma_start3A_200 : memref<1000000x128xf32, #tpu.memory_space<hbm>>) target(%dma_start3A_196 : memref<64x128xf32, #tpu.memory_space<vmem>>) offsets(%dma_start3A_197 : memref<64xi32, #tpu.memory_space<vmem>>) semaphore(%arg16 : memref<!tpu.dma_semaphore, #tpu.memory_space<semaphore_mem>>)
        %dma_start3A_201 = arith.constant 0 : i32
        %dma_start3A_202 = arith.constant 0 : i32
        %dma_start3A_203 = tpu.memref_slice %arg12[%scan3A_46, %dma_start3A_201, %dma_start3A_202] : memref<2x64x128xf32, #tpu.memory_space<vmem>> -> memref<1x64x128xf32, #tpu.memory_space<vmem>>
        %dma_start3A_204 = tpu.memref_squeeze %dma_start3A_203 : memref<1x64x128xf32, #tpu.memory_space<vmem>> -> memref<64x128xf32, #tpu.memory_space<vmem>>
        %dma_start3A_205 = tpu.memref_slice %arg9[%mul3A_192] : memref<512xi32, #tpu.memory_space<vmem>> -> memref<64xi32, #tpu.memory_space<vmem>>
        %dma_start3A_206 = arith.constant 0 : i32
        %dma_start3A_207 = arith.constant 0 : i32
        %dma_start3A_208 = tpu.memref_slice %arg5[%dma_start3A_206, %dma_start3A_207] : memref<1000000x128xf32, #tpu.memory_space<hbm>> -> memref<1000000x128xf32, #tpu.memory_space<hbm>>
        tpu.enqueue_indirect_dma source(%dma_start3A_208 : memref<1000000x128xf32, #tpu.memory_space<hbm>>) target(%dma_start3A_204 : memref<64x128xf32, #tpu.memory_space<vmem>>) offsets(%dma_start3A_205 : memref<64xi32, #tpu.memory_space<vmem>>) semaphore(%arg16 : memref<!tpu.dma_semaphore, #tpu.memory_space<semaphore_mem>>)
        %dma_start3A_209 = arith.constant 0 : i32
        %dma_start3A_210 = arith.constant 0 : i32
        %dma_start3A_211 = tpu.memref_slice %arg13[%scan3A_47, %dma_start3A_209, %dma_start3A_210] : memref<2x64x128xf32, #tpu.memory_space<vmem>> -> memref<1x64x128xf32, #tpu.memory_space<vmem>>
        %dma_start3A_212 = tpu.memref_squeeze %dma_start3A_211 : memref<1x64x128xf32, #tpu.memory_space<vmem>> -> memref<64x128xf32, #tpu.memory_space<vmem>>
        %dma_start3A_213 = tpu.memref_slice %arg10[%mul3A_192] : memref<512xi32, #tpu.memory_space<vmem>> -> memref<64xi32, #tpu.memory_space<vmem>>
        %dma_start3A_214 = arith.constant 0 : i32
        %dma_start3A_215 = arith.constant 0 : i32
        %dma_start3A_216 = tpu.memref_slice %arg6[%dma_start3A_214, %dma_start3A_215] : memref<1000x128xf32, #tpu.memory_space<hbm>> -> memref<1000x128xf32, #tpu.memory_space<hbm>>
        tpu.enqueue_indirect_dma source(%dma_start3A_216 : memref<1000x128xf32, #tpu.memory_space<hbm>>) target(%dma_start3A_212 : memref<64x128xf32, #tpu.memory_space<vmem>>) offsets(%dma_start3A_213 : memref<64xi32, #tpu.memory_space<vmem>>) semaphore(%arg16 : memref<!tpu.dma_semaphore, #tpu.memory_space<semaphore_mem>>)
      } else {
      }
      %dma_wait3A_132 = arith.constant 0 : i32
      %dma_wait3A_133 = arith.constant 0 : i32
      %dma_wait3A_134 = tpu.memref_slice %arg11[%scan3A, %dma_wait3A_132, %dma_wait3A_133] : memref<2x64x128xf32, #tpu.memory_space<vmem>> -> memref<1x64x128xf32, #tpu.memory_space<vmem>>
      %dma_wait3A_135 = tpu.memref_squeeze %dma_wait3A_134 : memref<1x64x128xf32, #tpu.memory_space<vmem>> -> memref<64x128xf32, #tpu.memory_space<vmem>>
      %dma_wait3A_136 = arith.constant 0 : i32
      %dma_wait3A_137 = arith.constant 0 : i32
      %dma_wait3A_138 = tpu.memref_slice %arg5[%dma_wait3A_136, %dma_wait3A_137] : memref<1000000x128xf32, #tpu.memory_space<hbm>> -> memref<64x128xf32, #tpu.memory_space<hbm>>
      %dma_wait3A_139 = arith.constant 0 : i32
      %dma_wait3A_140 = arith.constant 0 : i32
      %dma_wait3A_141 = tpu.memref_slice %arg11[%scan3A, %dma_wait3A_139, %dma_wait3A_140] : memref<2x64x128xf32, #tpu.memory_space<vmem>> -> memref<1x64x128xf32, #tpu.memory_space<vmem>>
      %dma_wait3A_142 = tpu.memref_squeeze %dma_wait3A_141 : memref<1x64x128xf32, #tpu.memory_space<vmem>> -> memref<64x128xf32, #tpu.memory_space<vmem>>
      %dma_wait3A_143 = arith.constant 0 : i32
      %dma_wait3A_144 = arith.constant 0 : i32
      %dma_wait3A_145 = tpu.memref_slice %arg5[%dma_wait3A_143, %dma_wait3A_144] : memref<1000000x128xf32, #tpu.memory_space<hbm>> -> memref<64x128xf32, #tpu.memory_space<hbm>>
      tpu.wait_dma2 semaphore(%arg17 : memref<!tpu.dma_semaphore, #tpu.memory_space<semaphore_mem>>) src(%dma_wait3A_145 : memref<64x128xf32, #tpu.memory_space<hbm>>) dst(%dma_wait3A_142 : memref<64x128xf32, #tpu.memory_space<vmem>>)
      %dma_wait3A_146 = arith.constant 0 : i32
      %dma_wait3A_147 = arith.constant 0 : i32
      %dma_wait3A_148 = tpu.memref_slice %arg12[%scan3A_43, %dma_wait3A_146, %dma_wait3A_147] : memref<2x64x128xf32, #tpu.memory_space<vmem>> -> memref<1x64x128xf32, #tpu.memory_space<vmem>>
      %dma_wait3A_149 = tpu.memref_squeeze %dma_wait3A_148 : memref<1x64x128xf32, #tpu.memory_space<vmem>> -> memref<64x128xf32, #tpu.memory_space<vmem>>
      %dma_wait3A_150 = arith.constant 0 : i32
      %dma_wait3A_151 = arith.constant 0 : i32
      %dma_wait3A_152 = tpu.memref_slice %arg5[%dma_wait3A_150, %dma_wait3A_151] : memref<1000000x128xf32, #tpu.memory_space<hbm>> -> memref<64x128xf32, #tpu.memory_space<hbm>>
      %dma_wait3A_153 = arith.constant 0 : i32
      %dma_wait3A_154 = arith.constant 0 : i32
      %dma_wait3A_155 = tpu.memref_slice %arg12[%scan3A_43, %dma_wait3A_153, %dma_wait3A_154] : memref<2x64x128xf32, #tpu.memory_space<vmem>> -> memref<1x64x128xf32, #tpu.memory_space<vmem>>
      %dma_wait3A_156 = tpu.memref_squeeze %dma_wait3A_155 : memref<1x64x128xf32, #tpu.memory_space<vmem>> -> memref<64x128xf32, #tpu.memory_space<vmem>>
      %dma_wait3A_157 = arith.constant 0 : i32
      %dma_wait3A_158 = arith.constant 0 : i32
      %dma_wait3A_159 = tpu.memref_slice %arg5[%dma_wait3A_157, %dma_wait3A_158] : memref<1000000x128xf32, #tpu.memory_space<hbm>> -> memref<64x128xf32, #tpu.memory_space<hbm>>
      tpu.wait_dma2 semaphore(%arg17 : memref<!tpu.dma_semaphore, #tpu.memory_space<semaphore_mem>>) src(%dma_wait3A_159 : memref<64x128xf32, #tpu.memory_space<hbm>>) dst(%dma_wait3A_156 : memref<64x128xf32, #tpu.memory_space<vmem>>)
      %dma_wait3A_160 = arith.constant 0 : i32
      %dma_wait3A_161 = arith.constant 0 : i32
      %dma_wait3A_162 = tpu.memref_slice %arg13[%scan3A_44, %dma_wait3A_160, %dma_wait3A_161] : memref<2x64x128xf32, #tpu.memory_space<vmem>> -> memref<1x64x128xf32, #tpu.memory_space<vmem>>
      %dma_wait3A_163 = tpu.memref_squeeze %dma_wait3A_162 : memref<1x64x128xf32, #tpu.memory_space<vmem>> -> memref<64x128xf32, #tpu.memory_space<vmem>>
      %dma_wait3A_164 = arith.constant 0 : i32
      %dma_wait3A_165 = arith.constant 0 : i32
      %dma_wait3A_166 = tpu.memref_slice %arg5[%dma_wait3A_164, %dma_wait3A_165] : memref<1000000x128xf32, #tpu.memory_space<hbm>> -> memref<64x128xf32, #tpu.memory_space<hbm>>
      %dma_wait3A_167 = arith.constant 0 : i32
      %dma_wait3A_168 = arith.constant 0 : i32
      %dma_wait3A_169 = tpu.memref_slice %arg13[%scan3A_44, %dma_wait3A_167, %dma_wait3A_168] : memref<2x64x128xf32, #tpu.memory_space<vmem>> -> memref<1x64x128xf32, #tpu.memory_space<vmem>>
      %dma_wait3A_170 = tpu.memref_squeeze %dma_wait3A_169 : memref<1x64x128xf32, #tpu.memory_space<vmem>> -> memref<64x128xf32, #tpu.memory_space<vmem>>
      %dma_wait3A_171 = arith.constant 0 : i32
      %dma_wait3A_172 = arith.constant 0 : i32
      %dma_wait3A_173 = tpu.memref_slice %arg5[%dma_wait3A_171, %dma_wait3A_172] : memref<1000000x128xf32, #tpu.memory_space<hbm>> -> memref<64x128xf32, #tpu.memory_space<hbm>>
      tpu.wait_dma2 semaphore(%arg17 : memref<!tpu.dma_semaphore, #tpu.memory_space<semaphore_mem>>) src(%dma_wait3A_173 : memref<64x128xf32, #tpu.memory_space<hbm>>) dst(%dma_wait3A_170 : memref<64x128xf32, #tpu.memory_space<vmem>>)
      %scan3A_174 = arith.constant 0 : i32
      %scan3A_175 = arith.constant 0 : i32
      %scan3A_176 = arith.constant 64 : i32
      %scan3A_177 = arith.addi %scan3A_175, %scan3A_176 : i32
      %scan3A_178 = arith.constant 1 : i32
      %scan3A_179 = scf.for %scan3A_189 = %scan3A_175 to %scan3A_177 step %scan3A_178 iter_args(%scan3A_190 = %scan3A_174) -> (i32)  : i32 {
        %broadcast_in_dim3A = arith.constant 0.000000e+00 : f32
        %broadcast_in_dim3A_191 = vector.broadcast %broadcast_in_dim3A : f32 to vector<16xf32>
        %get3A = arith.constant 0 : i32
        %get3A_192 = arith.constant 0 : i32
        %get3A_193 = tpu.memref_slice %arg11[%scan3A, %get3A, %get3A_192] : memref<2x64x128xf32, #tpu.memory_space<vmem>> -> memref<1x64x128xf32, #tpu.memory_space<vmem>>
        %get3A_194 = tpu.memref_squeeze %get3A_193 : memref<1x64x128xf32, #tpu.memory_space<vmem>> -> memref<64x128xf32, #tpu.memory_space<vmem>>
        %get3A_195 = arith.index_cast %scan3A_189 : i32 to index
        %get3A_196 = arith.constant 0 : index
        %get3A_197 = tpu.vector_load %get3A_194[%get3A_195, %get3A_196] {strides = array<i32>} : memref<64x128xf32, #tpu.memory_space<vmem>>, vector<16xf32>,
        %get3A_198 = arith.constant 0 : i32
        %get3A_199 = arith.constant 0 : i32
        %get3A_200 = tpu.memref_slice %arg11[%scan3A, %get3A_198, %get3A_199] : memref<2x64x128xf32, #tpu.memory_space<vmem>> -> memref<1x64x128xf32, #tpu.memory_space<vmem>>
        %get3A_201 = tpu.memref_squeeze %get3A_200 : memref<1x64x128xf32, #tpu.memory_space<vmem>> -> memref<64x128xf32, #tpu.memory_space<vmem>>
        %get3A_202 = arith.index_cast %scan3A_189 : i32 to index
        %get3A_203 = arith.constant 64 : index
        %get3A_204 = tpu.vector_load %get3A_201[%get3A_202, %get3A_203] {strides = array<i32>} : memref<64x128xf32, #tpu.memory_space<vmem>>, vector<16xf32>,
        %get3A_205 = arith.constant 0 : i32
        %get3A_206 = arith.constant 0 : i32
        %get3A_207 = tpu.memref_slice %arg12[%scan3A_43, %get3A_205, %get3A_206] : memref<2x64x128xf32, #tpu.memory_space<vmem>> -> memref<1x64x128xf32, #tpu.memory_space<vmem>>
        %get3A_208 = tpu.memref_squeeze %get3A_207 : memref<1x64x128xf32, #tpu.memory_space<vmem>> -> memref<64x128xf32, #tpu.memory_space<vmem>>
        %get3A_209 = arith.index_cast %scan3A_189 : i32 to index
        %get3A_210 = arith.constant 0 : index
        %get3A_211 = tpu.vector_load %get3A_208[%get3A_209, %get3A_210] {strides = array<i32>} : memref<64x128xf32, #tpu.memory_space<vmem>>, vector<16xf32>,
        %get3A_212 = arith.constant 0 : i32
        %get3A_213 = arith.constant 0 : i32
        %get3A_214 = tpu.memref_slice %arg12[%scan3A_43, %get3A_212, %get3A_213] : memref<2x64x128xf32, #tpu.memory_space<vmem>> -> memref<1x64x128xf32, #tpu.memory_space<vmem>>
        %get3A_215 = tpu.memref_squeeze %get3A_214 : memref<1x64x128xf32, #tpu.memory_space<vmem>> -> memref<64x128xf32, #tpu.memory_space<vmem>>
        %get3A_216 = arith.index_cast %scan3A_189 : i32 to index
        %get3A_217 = arith.constant 64 : index
        %get3A_218 = tpu.vector_load %get3A_215[%get3A_216, %get3A_217] {strides = array<i32>} : memref<64x128xf32, #tpu.memory_space<vmem>>, vector<16xf32>,
        %get3A_219 = arith.constant 0 : i32
        %get3A_220 = arith.constant 0 : i32
        %get3A_221 = tpu.memref_slice %arg13[%scan3A_44, %get3A_219, %get3A_220] : memref<2x64x128xf32, #tpu.memory_space<vmem>> -> memref<1x64x128xf32, #tpu.memory_space<vmem>>
        %get3A_222 = tpu.memref_squeeze %get3A_221 : memref<1x64x128xf32, #tpu.memory_space<vmem>> -> memref<64x128xf32, #tpu.memory_space<vmem>>
        %get3A_223 = arith.index_cast %scan3A_189 : i32 to index
        %get3A_224 = arith.constant 0 : index
        %get3A_225 = tpu.vector_load %get3A_222[%get3A_223, %get3A_224] {strides = array<i32>} : memref<64x128xf32, #tpu.memory_space<vmem>>, vector<16xf32>,
        %get3A_226 = arith.constant 0 : i32
        %get3A_227 = arith.constant 0 : i32
        %get3A_228 = tpu.memref_slice %arg13[%scan3A_44, %get3A_226, %get3A_227] : memref<2x64x128xf32, #tpu.memory_space<vmem>> -> memref<1x64x128xf32, #tpu.memory_space<vmem>>
        %get3A_229 = tpu.memref_squeeze %get3A_228 : memref<1x64x128xf32, #tpu.memory_space<vmem>> -> memref<64x128xf32, #tpu.memory_space<vmem>>
        %get3A_230 = arith.index_cast %scan3A_189 : i32 to index
        %get3A_231 = arith.constant 64 : index
        %get3A_232 = tpu.vector_load %get3A_229[%get3A_230, %get3A_231] {strides = array<i32>} : memref<64x128xf32, #tpu.memory_space<vmem>>, vector<16xf32>,
        %mul3A_233 = arith.mulf %get3A_197, %get3A_225 : vector<16xf32>
        %mul3A_234 = arith.mulf %get3A_204, %get3A_232 : vector<16xf32>
        %sub3A = arith.subf %mul3A_233, %mul3A_234 : vector<16xf32>
        %sub3A_235 = arith.subf %sub3A, %get3A_211 : vector<16xf32>
        %mul3A_236 = arith.mulf %get3A_197, %get3A_232 : vector<16xf32>
        %mul3A_237 = arith.mulf %get3A_204, %get3A_225 : vector<16xf32>
        %add3A_238 = arith.addf %mul3A_236, %mul3A_237 : vector<16xf32>
        %sub3A_239 = arith.subf %add3A_238, %get3A_218 : vector<16xf32>
        %mul3A_240 = arith.mulf %sub3A_235, %sub3A_235 : vector<16xf32>
        %mul3A_241 = arith.mulf %sub3A_239, %sub3A_239 : vector<16xf32>
        %add3A_242 = arith.addf %mul3A_240, %mul3A_241 : vector<16xf32>
        %bitcast3A = vector.bitcast %add3A_242 : vector<16xf32> to vector<16xi32>
        %shift_right_arithmetic3A = arith.constant 1 : i32
        %shift_right_arithmetic3A_243 = vector.broadcast %shift_right_arithmetic3A : i32 to vector<16xi32>
        %shift_right_arithmetic3A_244 = arith.shrsi %bitcast3A, %shift_right_arithmetic3A_243 : vector<16xi32>
        %sub3A_245 = arith.constant 1597463007 : i32
        %sub3A_246 = vector.broadcast %sub3A_245 : i32 to vector<16xi32>
        %sub3A_247 = arith.subi %sub3A_246, %shift_right_arithmetic3A_244 : vector<16xi32>
        %bitcast3A_248 = vector.bitcast %sub3A_247 : vector<16xi32> to vector<16xf32>
        %mul3A_249 = arith.mulf %add3A_242, %bitcast3A_248 : vector<16xf32>
        %mul3A_250 = arith.mulf %mul3A_249, %bitcast3A_248 : vector<16xf32>
        %sub3A_251 = arith.constant 3.000000e+00 : f32
        %sub3A_252 = vector.broadcast %sub3A_251 : f32 to vector<16xf32>
        %sub3A_253 = arith.subf %sub3A_252, %mul3A_250 : vector<16xf32>
        %mul3A_254 = arith.mulf %bitcast3A_248, %sub3A_253 : vector<16xf32>
        %mul3A_255 = arith.mulf %add3A_242, %mul3A_254 : vector<16xf32>
        %add3A_256 = arith.addf %broadcast_in_dim3A_191, %mul3A_255 : vector<16xf32>
        %get3A_257 = arith.constant 0 : i32
        %get3A_258 = arith.constant 0 : i32
        %get3A_259 = tpu.memref_slice %arg11[%scan3A, %get3A_257, %get3A_258] : memref<2x64x128xf32, #tpu.memory_space<vmem>> -> memref<1x64x128xf32, #tpu.memory_space<vmem>>
        %get3A_260 = tpu.memref_squeeze %get3A_259 : memref<1x64x128xf32, #tpu.memory_space<vmem>> -> memref<64x128xf32, #tpu.memory_space<vmem>>
        %get3A_261 = arith.index_cast %scan3A_189 : i32 to index
        %get3A_262 = arith.constant 16 : index
        %get3A_263 = tpu.vector_load %get3A_260[%get3A_261, %get3A_262] {strides = array<i32>} : memref<64x128xf32, #tpu.memory_space<vmem>>, vector<16xf32>,
        %get3A_264 = arith.constant 0 : i32
        %get3A_265 = arith.constant 0 : i32
        %get3A_266 = tpu.memref_slice %arg11[%scan3A, %get3A_264, %get3A_265] : memref<2x64x128xf32, #tpu.memory_space<vmem>> -> memref<1x64x128xf32, #tpu.memory_space<vmem>>
        %get3A_267 = tpu.memref_squeeze %get3A_266 : memref<1x64x128xf32, #tpu.memory_space<vmem>> -> memref<64x128xf32, #tpu.memory_space<vmem>>
        %get3A_268 = arith.index_cast %scan3A_189 : i32 to index
        %get3A_269 = arith.constant 80 : index
        %get3A_270 = tpu.vector_load %get3A_267[%get3A_268, %get3A_269] {strides = array<i32>} : memref<64x128xf32, #tpu.memory_space<vmem>>, vector<16xf32>,
        %get3A_271 = arith.constant 0 : i32
        %get3A_272 = arith.constant 0 : i32
        %get3A_273 = tpu.memref_slice %arg12[%scan3A_43, %get3A_271, %get3A_272] : memref<2x64x128xf32, #tpu.memory_space<vmem>> -> memref<1x64x128xf32, #tpu.memory_space<vmem>>
        %get3A_274 = tpu.memref_squeeze %get3A_273 : memref<1x64x128xf32, #tpu.memory_space<vmem>> -> memref<64x128xf32, #tpu.memory_space<vmem>>
        %get3A_275 = arith.index_cast %scan3A_189 : i32 to index
        %get3A_276 = arith.constant 16 : index
        %get3A_277 = tpu.vector_load %get3A_274[%get3A_275, %get3A_276] {strides = array<i32>} : memref<64x128xf32, #tpu.memory_space<vmem>>, vector<16xf32>,
        %get3A_278 = arith.constant 0 : i32
        %get3A_279 = arith.constant 0 : i32
        %get3A_280 = tpu.memref_slice %arg12[%scan3A_43, %get3A_278, %get3A_279] : memref<2x64x128xf32, #tpu.memory_space<vmem>> -> memref<1x64x128xf32, #tpu.memory_space<vmem>>
        %get3A_281 = tpu.memref_squeeze %get3A_280 : memref<1x64x128xf32, #tpu.memory_space<vmem>> -> memref<64x128xf32, #tpu.memory_space<vmem>>
        %get3A_282 = arith.index_cast %scan3A_189 : i32 to index
        %get3A_283 = arith.constant 80 : index
        %get3A_284 = tpu.vector_load %get3A_281[%get3A_282, %get3A_283] {strides = array<i32>} : memref<64x128xf32, #tpu.memory_space<vmem>>, vector<16xf32>,
        %get3A_285 = arith.constant 0 : i32
        %get3A_286 = arith.constant 0 : i32
        %get3A_287 = tpu.memref_slice %arg13[%scan3A_44, %get3A_285, %get3A_286] : memref<2x64x128xf32, #tpu.memory_space<vmem>> -> memref<1x64x128xf32, #tpu.memory_space<vmem>>
        %get3A_288 = tpu.memref_squeeze %get3A_287 : memref<1x64x128xf32, #tpu.memory_space<vmem>> -> memref<64x128xf32, #tpu.memory_space<vmem>>
        %get3A_289 = arith.index_cast %scan3A_189 : i32 to index
        %get3A_290 = arith.constant 16 : index
        %get3A_291 = tpu.vector_load %get3A_288[%get3A_289, %get3A_290] {strides = array<i32>} : memref<64x128xf32, #tpu.memory_space<vmem>>, vector<16xf32>,
        %get3A_292 = arith.constant 0 : i32
        %get3A_293 = arith.constant 0 : i32
        %get3A_294 = tpu.memref_slice %arg13[%scan3A_44, %get3A_292, %get3A_293] : memref<2x64x128xf32, #tpu.memory_space<vmem>> -> memref<1x64x128xf32, #tpu.memory_space<vmem>>
        %get3A_295 = tpu.memref_squeeze %get3A_294 : memref<1x64x128xf32, #tpu.memory_space<vmem>> -> memref<64x128xf32, #tpu.memory_space<vmem>>
        %get3A_296 = arith.index_cast %scan3A_189 : i32 to index
        %get3A_297 = arith.constant 80 : index
        %get3A_298 = tpu.vector_load %get3A_295[%get3A_296, %get3A_297] {strides = array<i32>} : memref<64x128xf32, #tpu.memory_space<vmem>>, vector<16xf32>,
        %mul3A_299 = arith.mulf %get3A_263, %get3A_291 : vector<16xf32>
        %mul3A_300 = arith.mulf %get3A_270, %get3A_298 : vector<16xf32>
        %sub3A_301 = arith.subf %mul3A_299, %mul3A_300 : vector<16xf32>
        %sub3A_302 = arith.subf %sub3A_301, %get3A_277 : vector<16xf32>
        %mul3A_303 = arith.mulf %get3A_263, %get3A_298 : vector<16xf32>
        %mul3A_304 = arith.mulf %get3A_270, %get3A_291 : vector<16xf32>
        %add3A_305 = arith.addf %mul3A_303, %mul3A_304 : vector<16xf32>
        %sub3A_306 = arith.subf %add3A_305, %get3A_284 : vector<16xf32>
        %mul3A_307 = arith.mulf %sub3A_302, %sub3A_302 : vector<16xf32>
        %mul3A_308 = arith.mulf %sub3A_306, %sub3A_306 : vector<16xf32>
        %add3A_309 = arith.addf %mul3A_307, %mul3A_308 : vector<16xf32>
        %bitcast3A_310 = vector.bitcast %add3A_309 : vector<16xf32> to vector<16xi32>
        %shift_right_arithmetic3A_311 = arith.constant 1 : i32
        %shift_right_arithmetic3A_312 = vector.broadcast %shift_right_arithmetic3A_311 : i32 to vector<16xi32>
        %shift_right_arithmetic3A_313 = arith.shrsi %bitcast3A_310, %shift_right_arithmetic3A_312 : vector<16xi32>
        %sub3A_314 = arith.constant 1597463007 : i32
        %sub3A_315 = vector.broadcast %sub3A_314 : i32 to vector<16xi32>
        %sub3A_316 = arith.subi %sub3A_315, %shift_right_arithmetic3A_313 : vector<16xi32>
        %bitcast3A_317 = vector.bitcast %sub3A_316 : vector<16xi32> to vector<16xf32>
        %mul3A_318 = arith.mulf %add3A_309, %bitcast3A_317 : vector<16xf32>
        %mul3A_319 = arith.mulf %mul3A_318, %bitcast3A_317 : vector<16xf32>
        %sub3A_320 = arith.constant 3.000000e+00 : f32
        %sub3A_321 = vector.broadcast %sub3A_320 : f32 to vector<16xf32>
        %sub3A_322 = arith.subf %sub3A_321, %mul3A_319 : vector<16xf32>
        %mul3A_323 = arith.mulf %bitcast3A_317, %sub3A_322 : vector<16xf32>
        %mul3A_324 = arith.mulf %add3A_309, %mul3A_323 : vector<16xf32>
        %add3A_325 = arith.addf %add3A_256, %mul3A_324 : vector<16xf32>
        %get3A_326 = arith.constant 0 : i32
        %get3A_327 = arith.constant 0 : i32
        %get3A_328 = tpu.memref_slice %arg11[%scan3A, %get3A_326, %get3A_327] : memref<2x64x128xf32, #tpu.memory_space<vmem>> -> memref<1x64x128xf32, #tpu.memory_space<vmem>>
        %get3A_329 = tpu.memref_squeeze %get3A_328 : memref<1x64x128xf32, #tpu.memory_space<vmem>> -> memref<64x128xf32, #tpu.memory_space<vmem>>
        %get3A_330 = arith.index_cast %scan3A_189 : i32 to index
        %get3A_331 = arith.constant 32 : index
        %get3A_332 = tpu.vector_load %get3A_329[%get3A_330, %get3A_331] {strides = array<i32>} : memref<64x128xf32, #tpu.memory_space<vmem>>, vector<16xf32>,
        %get3A_333 = arith.constant 0 : i32
        %get3A_334 = arith.constant 0 : i32
        %get3A_335 = tpu.memref_slice %arg11[%scan3A, %get3A_333, %get3A_334] : memref<2x64x128xf32, #tpu.memory_space<vmem>> -> memref<1x64x128xf32, #tpu.memory_space<vmem>>
        %get3A_336 = tpu.memref_squeeze %get3A_335 : memref<1x64x128xf32, #tpu.memory_space<vmem>> -> memref<64x128xf32, #tpu.memory_space<vmem>>
        %get3A_337 = arith.index_cast %scan3A_189 : i32 to index
        %get3A_338 = arith.constant 96 : index
        %get3A_339 = tpu.vector_load %get3A_336[%get3A_337, %get3A_338] {strides = array<i32>} : memref<64x128xf32, #tpu.memory_space<vmem>>, vector<16xf32>,
        %get3A_340 = arith.constant 0 : i32
        %get3A_341 = arith.constant 0 : i32
        %get3A_342 = tpu.memref_slice %arg12[%scan3A_43, %get3A_340, %get3A_341] : memref<2x64x128xf32, #tpu.memory_space<vmem>> -> memref<1x64x128xf32, #tpu.memory_space<vmem>>
        %get3A_343 = tpu.memref_squeeze %get3A_342 : memref<1x64x128xf32, #tpu.memory_space<vmem>> -> memref<64x128xf32, #tpu.memory_space<vmem>>
        %get3A_344 = arith.index_cast %scan3A_189 : i32 to index
        %get3A_345 = arith.constant 32 : index
        %get3A_346 = tpu.vector_load %get3A_343[%get3A_344, %get3A_345] {strides = array<i32>} : memref<64x128xf32, #tpu.memory_space<vmem>>, vector<16xf32>,
        %get3A_347 = arith.constant 0 : i32
        %get3A_348 = arith.constant 0 : i32
        %get3A_349 = tpu.memref_slice %arg12[%scan3A_43, %get3A_347, %get3A_348] : memref<2x64x128xf32, #tpu.memory_space<vmem>> -> memref<1x64x128xf32, #tpu.memory_space<vmem>>
        %get3A_350 = tpu.memref_squeeze %get3A_349 : memref<1x64x128xf32, #tpu.memory_space<vmem>> -> memref<64x128xf32, #tpu.memory_space<vmem>>
        %get3A_351 = arith.index_cast %scan3A_189 : i32 to index
        %get3A_352 = arith.constant 96 : index
        %get3A_353 = tpu.vector_load %get3A_350[%get3A_351, %get3A_352] {strides = array<i32>} : memref<64x128xf32, #tpu.memory_space<vmem>>, vector<16xf32>,
        %get3A_354 = arith.constant 0 : i32
        %get3A_355 = arith.constant 0 : i32
        %get3A_356 = tpu.memref_slice %arg13[%scan3A_44, %get3A_354, %get3A_355] : memref<2x64x128xf32, #tpu.memory_space<vmem>> -> memref<1x64x128xf32, #tpu.memory_space<vmem>>
        %get3A_357 = tpu.memref_squeeze %get3A_356 : memref<1x64x128xf32, #tpu.memory_space<vmem>> -> memref<64x128xf32, #tpu.memory_space<vmem>>
        %get3A_358 = arith.index_cast %scan3A_189 : i32 to index
        %get3A_359 = arith.constant 32 : index
        %get3A_360 = tpu.vector_load %get3A_357[%get3A_358, %get3A_359] {strides = array<i32>} : memref<64x128xf32, #tpu.memory_space<vmem>>, vector<16xf32>,
        %get3A_361 = arith.constant 0 : i32
        %get3A_362 = arith.constant 0 : i32
        %get3A_363 = tpu.memref_slice %arg13[%scan3A_44, %get3A_361, %get3A_362] : memref<2x64x128xf32, #tpu.memory_space<vmem>> -> memref<1x64x128xf32, #tpu.memory_space<vmem>>
        %get3A_364 = tpu.memref_squeeze %get3A_363 : memref<1x64x128xf32, #tpu.memory_space<vmem>> -> memref<64x128xf32, #tpu.memory_space<vmem>>
        %get3A_365 = arith.index_cast %scan3A_189 : i32 to index
        %get3A_366 = arith.constant 96 : index
        %get3A_367 = tpu.vector_load %get3A_364[%get3A_365, %get3A_366] {strides = array<i32>} : memref<64x128xf32, #tpu.memory_space<vmem>>, vector<16xf32>,
        %mul3A_368 = arith.mulf %get3A_332, %get3A_360 : vector<16xf32>
        %mul3A_369 = arith.mulf %get3A_339, %get3A_367 : vector<16xf32>
        %sub3A_370 = arith.subf %mul3A_368, %mul3A_369 : vector<16xf32>
        %sub3A_371 = arith.subf %sub3A_370, %get3A_346 : vector<16xf32>
        %mul3A_372 = arith.mulf %get3A_332, %get3A_367 : vector<16xf32>
        %mul3A_373 = arith.mulf %get3A_339, %get3A_360 : vector<16xf32>
        %add3A_374 = arith.addf %mul3A_372, %mul3A_373 : vector<16xf32>
        %sub3A_375 = arith.subf %add3A_374, %get3A_353 : vector<16xf32>
        %mul3A_376 = arith.mulf %sub3A_371, %sub3A_371 : vector<16xf32>
        %mul3A_377 = arith.mulf %sub3A_375, %sub3A_375 : vector<16xf32>
        %add3A_378 = arith.addf %mul3A_376, %mul3A_377 : vector<16xf32>
        %bitcast3A_379 = vector.bitcast %add3A_378 : vector<16xf32> to vector<16xi32>
        %shift_right_arithmetic3A_380 = arith.constant 1 : i32
        %shift_right_arithmetic3A_381 = vector.broadcast %shift_right_arithmetic3A_380 : i32 to vector<16xi32>
        %shift_right_arithmetic3A_382 = arith.shrsi %bitcast3A_379, %shift_right_arithmetic3A_381 : vector<16xi32>
        %sub3A_383 = arith.constant 1597463007 : i32
        %sub3A_384 = vector.broadcast %sub3A_383 : i32 to vector<16xi32>
        %sub3A_385 = arith.subi %sub3A_384, %shift_right_arithmetic3A_382 : vector<16xi32>
        %bitcast3A_386 = vector.bitcast %sub3A_385 : vector<16xi32> to vector<16xf32>
        %mul3A_387 = arith.mulf %add3A_378, %bitcast3A_386 : vector<16xf32>
        %mul3A_388 = arith.mulf %mul3A_387, %bitcast3A_386 : vector<16xf32>
        %sub3A_389 = arith.constant 3.000000e+00 : f32
        %sub3A_390 = vector.broadcast %sub3A_389 : f32 to vector<16xf32>
        %sub3A_391 = arith.subf %sub3A_390, %mul3A_388 : vector<16xf32>
        %mul3A_392 = arith.mulf %bitcast3A_386, %sub3A_391 : vector<16xf32>
        %mul3A_393 = arith.mulf %add3A_378, %mul3A_392 : vector<16xf32>
        %add3A_394 = arith.addf %add3A_325, %mul3A_393 : vector<16xf32>
        %get3A_395 = arith.constant 0 : i32
        %get3A_396 = arith.constant 0 : i32
        %get3A_397 = tpu.memref_slice %arg11[%scan3A, %get3A_395, %get3A_396] : memref<2x64x128xf32, #tpu.memory_space<vmem>> -> memref<1x64x128xf32, #tpu.memory_space<vmem>>
        %get3A_398 = tpu.memref_squeeze %get3A_397 : memref<1x64x128xf32, #tpu.memory_space<vmem>> -> memref<64x128xf32, #tpu.memory_space<vmem>>
        %get3A_399 = arith.index_cast %scan3A_189 : i32 to index
        %get3A_400 = arith.constant 48 : index
        %get3A_401 = tpu.vector_load %get3A_398[%get3A_399, %get3A_400] {strides = array<i32>} : memref<64x128xf32, #tpu.memory_space<vmem>>, vector<16xf32>,
        %get3A_402 = arith.constant 0 : i32
        %get3A_403 = arith.constant 0 : i32
        %get3A_404 = tpu.memref_slice %arg11[%scan3A, %get3A_402, %get3A_403] : memref<2x64x128xf32, #tpu.memory_space<vmem>> -> memref<1x64x128xf32, #tpu.memory_space<vmem>>
        %get3A_405 = tpu.memref_squeeze %get3A_404 : memref<1x64x128xf32, #tpu.memory_space<vmem>> -> memref<64x128xf32, #tpu.memory_space<vmem>>
        %get3A_406 = arith.index_cast %scan3A_189 : i32 to index
        %get3A_407 = arith.constant 112 : index
        %get3A_408 = tpu.vector_load %get3A_405[%get3A_406, %get3A_407] {strides = array<i32>} : memref<64x128xf32, #tpu.memory_space<vmem>>, vector<16xf32>,
        %get3A_409 = arith.constant 0 : i32
        %get3A_410 = arith.constant 0 : i32
        %get3A_411 = tpu.memref_slice %arg12[%scan3A_43, %get3A_409, %get3A_410] : memref<2x64x128xf32, #tpu.memory_space<vmem>> -> memref<1x64x128xf32, #tpu.memory_space<vmem>>
        %get3A_412 = tpu.memref_squeeze %get3A_411 : memref<1x64x128xf32, #tpu.memory_space<vmem>> -> memref<64x128xf32, #tpu.memory_space<vmem>>
        %get3A_413 = arith.index_cast %scan3A_189 : i32 to index
        %get3A_414 = arith.constant 48 : index
        %get3A_415 = tpu.vector_load %get3A_412[%get3A_413, %get3A_414] {strides = array<i32>} : memref<64x128xf32, #tpu.memory_space<vmem>>, vector<16xf32>,
        %get3A_416 = arith.constant 0 : i32
        %get3A_417 = arith.constant 0 : i32
        %get3A_418 = tpu.memref_slice %arg12[%scan3A_43, %get3A_416, %get3A_417] : memref<2x64x128xf32, #tpu.memory_space<vmem>> -> memref<1x64x128xf32, #tpu.memory_space<vmem>>
        %get3A_419 = tpu.memref_squeeze %get3A_418 : memref<1x64x128xf32, #tpu.memory_space<vmem>> -> memref<64x128xf32, #tpu.memory_space<vmem>>
        %get3A_420 = arith.index_cast %scan3A_189 : i32 to index
        %get3A_421 = arith.constant 112 : index
        %get3A_422 = tpu.vector_load %get3A_419[%get3A_420, %get3A_421] {strides = array<i32>} : memref<64x128xf32, #tpu.memory_space<vmem>>, vector<16xf32>,
        %get3A_423 = arith.constant 0 : i32
        %get3A_424 = arith.constant 0 : i32
        %get3A_425 = tpu.memref_slice %arg13[%scan3A_44, %get3A_423, %get3A_424] : memref<2x64x128xf32, #tpu.memory_space<vmem>> -> memref<1x64x128xf32, #tpu.memory_space<vmem>>
        %get3A_426 = tpu.memref_squeeze %get3A_425 : memref<1x64x128xf32, #tpu.memory_space<vmem>> -> memref<64x128xf32, #tpu.memory_space<vmem>>
        %get3A_427 = arith.index_cast %scan3A_189 : i32 to index
        %get3A_428 = arith.constant 48 : index
        %get3A_429 = tpu.vector_load %get3A_426[%get3A_427, %get3A_428] {strides = array<i32>} : memref<64x128xf32, #tpu.memory_space<vmem>>, vector<16xf32>,
        %get3A_430 = arith.constant 0 : i32
        %get3A_431 = arith.constant 0 : i32
        %get3A_432 = tpu.memref_slice %arg13[%scan3A_44, %get3A_430, %get3A_431] : memref<2x64x128xf32, #tpu.memory_space<vmem>> -> memref<1x64x128xf32, #tpu.memory_space<vmem>>
        %get3A_433 = tpu.memref_squeeze %get3A_432 : memref<1x64x128xf32, #tpu.memory_space<vmem>> -> memref<64x128xf32, #tpu.memory_space<vmem>>
        %get3A_434 = arith.index_cast %scan3A_189 : i32 to index
        %get3A_435 = arith.constant 112 : index
        %get3A_436 = tpu.vector_load %get3A_433[%get3A_434, %get3A_435] {strides = array<i32>} : memref<64x128xf32, #tpu.memory_space<vmem>>, vector<16xf32>,
        %mul3A_437 = arith.mulf %get3A_401, %get3A_429 : vector<16xf32>
        %mul3A_438 = arith.mulf %get3A_408, %get3A_436 : vector<16xf32>
        %sub3A_439 = arith.subf %mul3A_437, %mul3A_438 : vector<16xf32>
        %sub3A_440 = arith.subf %sub3A_439, %get3A_415 : vector<16xf32>
        %mul3A_441 = arith.mulf %get3A_401, %get3A_436 : vector<16xf32>
        %mul3A_442 = arith.mulf %get3A_408, %get3A_429 : vector<16xf32>
        %add3A_443 = arith.addf %mul3A_441, %mul3A_442 : vector<16xf32>
        %sub3A_444 = arith.subf %add3A_443, %get3A_422 : vector<16xf32>
        %mul3A_445 = arith.mulf %sub3A_440, %sub3A_440 : vector<16xf32>
        %mul3A_446 = arith.mulf %sub3A_444, %sub3A_444 : vector<16xf32>
        %add3A_447 = arith.addf %mul3A_445, %mul3A_446 : vector<16xf32>
        %bitcast3A_448 = vector.bitcast %add3A_447 : vector<16xf32> to vector<16xi32>
        %shift_right_arithmetic3A_449 = arith.constant 1 : i32
        %shift_right_arithmetic3A_450 = vector.broadcast %shift_right_arithmetic3A_449 : i32 to vector<16xi32>
        %shift_right_arithmetic3A_451 = arith.shrsi %bitcast3A_448, %shift_right_arithmetic3A_450 : vector<16xi32>
        %sub3A_452 = arith.constant 1597463007 : i32
        %sub3A_453 = vector.broadcast %sub3A_452 : i32 to vector<16xi32>
        %sub3A_454 = arith.subi %sub3A_453, %shift_right_arithmetic3A_451 : vector<16xi32>
        %bitcast3A_455 = vector.bitcast %sub3A_454 : vector<16xi32> to vector<16xf32>
        %mul3A_456 = arith.mulf %add3A_447, %bitcast3A_455 : vector<16xf32>
        %mul3A_457 = arith.mulf %mul3A_456, %bitcast3A_455 : vector<16xf32>
        %sub3A_458 = arith.constant 3.000000e+00 : f32
        %sub3A_459 = vector.broadcast %sub3A_458 : f32 to vector<16xf32>
        %sub3A_460 = arith.subf %sub3A_459, %mul3A_457 : vector<16xf32>
        %mul3A_461 = arith.mulf %bitcast3A_455, %sub3A_460 : vector<16xf32>
        %mul3A_462 = arith.mulf %add3A_447, %mul3A_461 : vector<16xf32>
        %add3A_463 = arith.addf %add3A_394, %mul3A_462 : vector<16xf32>
        %swap3A = arith.index_cast %scan3A_189 : i32 to index
        %swap3A_464 = arith.constant 0 : index
        %swap3A_465 = tpu.vector_load %arg14[%swap3A, %swap3A_464] {strides = array<i32>} : memref<64x16xf32, #tpu.memory_space<vmem>>, vector<16xf32>,
        tpu.vector_store %arg14[%swap3A, %swap3A_464], %add3A_463 {strides = array<i32>} : memref<64x16xf32, #tpu.memory_space<vmem>>, vector<16xf32>,
        %scan3A_466 = arith.constant 0 : i32
        scf.yield %scan3A_466 : i32
      }
      %scan3A_180 = arith.constant 64 : i32
      %scan3A_181 = arith.constant 0 : i32
      %scan3A_182 = arith.constant 0 : i32
      %scan3A_183 = arith.constant 4 : i32
      %scan3A_184 = arith.addi %scan3A_182, %scan3A_183 : i32
      %scan3A_185 = arith.constant 1 : i32
      %scan3A_186 = scf.for %scan3A_189 = %scan3A_182 to %scan3A_184 step %scan3A_185 iter_args(%scan3A_190 = %scan3A_181) -> (i32)  : i32 {
        %mul3A_191 = arith.constant 16 : i32
        %mul3A_192 = arith.muli %scan3A_189, %mul3A_191 : i32
        %iota3A = tpu.iota {dimensions = array<i32: 0>} : vector<16xi32>
        %add3A_193 = vector.broadcast %mul3A_192 : i32 to vector<16xi32>
        %add3A_194 = arith.addi %add3A_193, %iota3A : vector<16xi32>
        %broadcast_in_dim3A = arith.constant 0.000000e+00 : f32
        %broadcast_in_dim3A_195 = vector.broadcast %broadcast_in_dim3A : f32 to vector<16xf32>
        %broadcast_in_dim3A_196 = arith.constant 0 : i32
        %broadcast_in_dim3A_197 = vector.broadcast %broadcast_in_dim3A_196 : i32 to vector<16xi32>
        %gather3A = tpu.vector_load_idx %arg14[%add3A_194, %broadcast_in_dim3A_197] : memref<64x16xf32, #tpu.memory_space<vmem>>[vector<16xi32>, vector<16xi32>], vector<16xf32>,
        %add3A_198 = arith.addf %broadcast_in_dim3A_195, %gather3A : vector<16xf32>
        %broadcast_in_dim3A_199 = arith.constant 1 : i32
        %broadcast_in_dim3A_200 = vector.broadcast %broadcast_in_dim3A_199 : i32 to vector<16xi32>
        %gather3A_201 = tpu.vector_load_idx %arg14[%add3A_194, %broadcast_in_dim3A_200] : memref<64x16xf32, #tpu.memory_space<vmem>>[vector<16xi32>, vector<16xi32>], vector<16xf32>,
        %add3A_202 = arith.addf %add3A_198, %gather3A_201 : vector<16xf32>
        %broadcast_in_dim3A_203 = arith.constant 2 : i32
        %broadcast_in_dim3A_204 = vector.broadcast %broadcast_in_dim3A_203 : i32 to vector<16xi32>
        %gather3A_205 = tpu.vector_load_idx %arg14[%add3A_194, %broadcast_in_dim3A_204] : memref<64x16xf32, #tpu.memory_space<vmem>>[vector<16xi32>, vector<16xi32>], vector<16xf32>,
        %add3A_206 = arith.addf %add3A_202, %gather3A_205 : vector<16xf32>
        %broadcast_in_dim3A_207 = arith.constant 3 : i32
        %broadcast_in_dim3A_208 = vector.broadcast %broadcast_in_dim3A_207 : i32 to vector<16xi32>
        %gather3A_209 = tpu.vector_load_idx %arg14[%add3A_194, %broadcast_in_dim3A_208] : memref<64x16xf32, #tpu.memory_space<vmem>>[vector<16xi32>, vector<16xi32>], vector<16xf32>,
        %add3A_210 = arith.addf %add3A_206, %gather3A_209 : vector<16xf32>
        %broadcast_in_dim3A_211 = arith.constant 4 : i32
        %broadcast_in_dim3A_212 = vector.broadcast %broadcast_in_dim3A_211 : i32 to vector<16xi32>
        %gather3A_213 = tpu.vector_load_idx %arg14[%add3A_194, %broadcast_in_dim3A_212] : memref<64x16xf32, #tpu.memory_space<vmem>>[vector<16xi32>, vector<16xi32>], vector<16xf32>,
        %add3A_214 = arith.addf %add3A_210, %gather3A_213 : vector<16xf32>
        %broadcast_in_dim3A_215 = arith.constant 5 : i32
        %broadcast_in_dim3A_216 = vector.broadcast %broadcast_in_dim3A_215 : i32 to vector<16xi32>
        %gather3A_217 = tpu.vector_load_idx %arg14[%add3A_194, %broadcast_in_dim3A_216] : memref<64x16xf32, #tpu.memory_space<vmem>>[vector<16xi32>, vector<16xi32>], vector<16xf32>,
        %add3A_218 = arith.addf %add3A_214, %gather3A_217 : vector<16xf32>
        %broadcast_in_dim3A_219 = arith.constant 6 : i32
        %broadcast_in_dim3A_220 = vector.broadcast %broadcast_in_dim3A_219 : i32 to vector<16xi32>
        %gather3A_221 = tpu.vector_load_idx %arg14[%add3A_194, %broadcast_in_dim3A_220] : memref<64x16xf32, #tpu.memory_space<vmem>>[vector<16xi32>, vector<16xi32>], vector<16xf32>,
        %add3A_222 = arith.addf %add3A_218, %gather3A_221 : vector<16xf32>
        %broadcast_in_dim3A_223 = arith.constant 7 : i32
        %broadcast_in_dim3A_224 = vector.broadcast %broadcast_in_dim3A_223 : i32 to vector<16xi32>
        %gather3A_225 = tpu.vector_load_idx %arg14[%add3A_194, %broadcast_in_dim3A_224] : memref<64x16xf32, #tpu.memory_space<vmem>>[vector<16xi32>, vector<16xi32>], vector<16xf32>,
        %add3A_226 = arith.addf %add3A_222, %gather3A_225 : vector<16xf32>
        %broadcast_in_dim3A_227 = arith.constant 8 : i32
        %broadcast_in_dim3A_228 = vector.broadcast %broadcast_in_dim3A_227 : i32 to vector<16xi32>
        %gather3A_229 = tpu.vector_load_idx %arg14[%add3A_194, %broadcast_in_dim3A_228] : memref<64x16xf32, #tpu.memory_space<vmem>>[vector<16xi32>, vector<16xi32>], vector<16xf32>,
        %add3A_230 = arith.addf %add3A_226, %gather3A_229 : vector<16xf32>
        %broadcast_in_dim3A_231 = arith.constant 9 : i32
        %broadcast_in_dim3A_232 = vector.broadcast %broadcast_in_dim3A_231 : i32 to vector<16xi32>
        %gather3A_233 = tpu.vector_load_idx %arg14[%add3A_194, %broadcast_in_dim3A_232] : memref<64x16xf32, #tpu.memory_space<vmem>>[vector<16xi32>, vector<16xi32>], vector<16xf32>,
        %add3A_234 = arith.addf %add3A_230, %gather3A_233 : vector<16xf32>
        %broadcast_in_dim3A_235 = arith.constant 10 : i32
        %broadcast_in_dim3A_236 = vector.broadcast %broadcast_in_dim3A_235 : i32 to vector<16xi32>
        %gather3A_237 = tpu.vector_load_idx %arg14[%add3A_194, %broadcast_in_dim3A_236] : memref<64x16xf32, #tpu.memory_space<vmem>>[vector<16xi32>, vector<16xi32>], vector<16xf32>,
        %add3A_238 = arith.addf %add3A_234, %gather3A_237 : vector<16xf32>
        %broadcast_in_dim3A_239 = arith.constant 11 : i32
        %broadcast_in_dim3A_240 = vector.broadcast %broadcast_in_dim3A_239 : i32 to vector<16xi32>
        %gather3A_241 = tpu.vector_load_idx %arg14[%add3A_194, %broadcast_in_dim3A_240] : memref<64x16xf32, #tpu.memory_space<vmem>>[vector<16xi32>, vector<16xi32>], vector<16xf32>,
        %add3A_242 = arith.addf %add3A_238, %gather3A_241 : vector<16xf32>
        %broadcast_in_dim3A_243 = arith.constant 12 : i32
        %broadcast_in_dim3A_244 = vector.broadcast %broadcast_in_dim3A_243 : i32 to vector<16xi32>
        %gather3A_245 = tpu.vector_load_idx %arg14[%add3A_194, %broadcast_in_dim3A_244] : memref<64x16xf32, #tpu.memory_space<vmem>>[vector<16xi32>, vector<16xi32>], vector<16xf32>,
        %add3A_246 = arith.addf %add3A_242, %gather3A_245 : vector<16xf32>
        %broadcast_in_dim3A_247 = arith.constant 13 : i32
        %broadcast_in_dim3A_248 = vector.broadcast %broadcast_in_dim3A_247 : i32 to vector<16xi32>
        %gather3A_249 = tpu.vector_load_idx %arg14[%add3A_194, %broadcast_in_dim3A_248] : memref<64x16xf32, #tpu.memory_space<vmem>>[vector<16xi32>, vector<16xi32>], vector<16xf32>,
        %add3A_250 = arith.addf %add3A_246, %gather3A_249 : vector<16xf32>
        %broadcast_in_dim3A_251 = arith.constant 14 : i32
        %broadcast_in_dim3A_252 = vector.broadcast %broadcast_in_dim3A_251 : i32 to vector<16xi32>
        %gather3A_253 = tpu.vector_load_idx %arg14[%add3A_194, %broadcast_in_dim3A_252] : memref<64x16xf32, #tpu.memory_space<vmem>>[vector<16xi32>, vector<16xi32>], vector<16xf32>,
        %add3A_254 = arith.addf %add3A_250, %gather3A_253 : vector<16xf32>
        %broadcast_in_dim3A_255 = arith.constant 15 : i32
        %broadcast_in_dim3A_256 = vector.broadcast %broadcast_in_dim3A_255 : i32 to vector<16xi32>
        %gather3A_257 = tpu.vector_load_idx %arg14[%add3A_194, %broadcast_in_dim3A_256] : memref<64x16xf32, #tpu.memory_space<vmem>>[vector<16xi32>, vector<16xi32>], vector<16xf32>,
        %add3A_258 = arith.addf %add3A_254, %gather3A_257 : vector<16xf32>
        %mul3A_259 = arith.constant -5.000000e-01 : f32
        %mul3A_260 = vector.broadcast %mul3A_259 : f32 to vector<16xf32>
        %mul3A_261 = arith.mulf %add3A_258, %mul3A_260 : vector<16xf32>
        %mul3A_262 = arith.constant 64 : i32
        %mul3A_263 = arith.muli %add3A_124, %mul3A_262 : i32
        %mul3A_264 = arith.constant 16 : i32
        %mul3A_265 = arith.muli %scan3A_189, %mul3A_264 : i32
        %add3A_266 = arith.addi %mul3A_263, %mul3A_265 : i32
        %swap3A = arith.index_cast %add3A_266 : i32 to index
        %swap3A_267 = tpu.vector_load %arg15[%swap3A] {strides = array<i32>} : memref<512xf32, #tpu.memory_space<vmem>>, vector<16xf32>,
        tpu.vector_store %arg15[%swap3A], %mul3A_261 {strides = array<i32>} : memref<512xf32, #tpu.memory_space<vmem>>, vector<16xf32>,
        %scan3A_268 = arith.constant 0 : i32
        scf.yield %scan3A_268 : i32
      }
      %scan3A_187 = arith.constant 4 : i32
      %scan3A_188 = arith.constant 0 : i32
      scf.yield %scan3A_188 : i32
    }
    %scan3A_54 = arith.constant 4 : i32
    "tpu.region"() ({
      %run_scoped3A = tpu.sem_alloc : memref<!tpu.dma_semaphore, #tpu.memory_space<semaphore_mem>>
      %dma_start3A_55 = tpu.memref_slice %arg7[%mul3A_2] : memref<16384xf32, #tpu.memory_space<hbm>> -> memref<512xf32, #tpu.memory_space<hbm>>
      %dma_start3A_56 = tpu.memref_slice %arg7[%mul3A_2] : memref<16384xf32, #tpu.memory_space<hbm>> -> memref<512xf32, #tpu.memory_space<hbm>>
      tpu.enqueue_dma source(%arg15 : memref<512xf32, #tpu.memory_space<vmem>>) target(%dma_start3A_56 : memref<512xf32, #tpu.memory_space<hbm>>) target_semaphore(%run_scoped3A : memref<!tpu.dma_semaphore, #tpu.memory_space<semaphore_mem>>)
      %dma_wait3A_57 = tpu.memref_slice %arg7[%mul3A_2] : memref<16384xf32, #tpu.memory_space<hbm>> -> memref<512xf32, #tpu.memory_space<hbm>>
      %dma_wait3A_58 = tpu.memref_slice %arg7[%mul3A_2] : memref<16384xf32, #tpu.memory_space<hbm>> -> memref<512xf32, #tpu.memory_space<hbm>>
      tpu.wait_dma2 semaphore(%run_scoped3A : memref<!tpu.dma_semaphore, #tpu.memory_space<semaphore_mem>>) src(%arg15 : memref<512xf32, #tpu.memory_space<vmem>>) dst(%dma_wait3A_58 : memref<512xf32, #tpu.memory_space<hbm>>)
      tpu.yield
    }) : () -> ()
    return
  }
}

</mosaic_0001>

<sc_bundles>
// kernel: _rotate_score.3.cloned.1.call-start
scs
__scs_entry_jumppad:
0x0: {  	(pc) =	sbr.rel $0x88, $3  }
0x1: {  	(tag) =	ssettag $0x0;
	lr =	simm.s32 $0x1  }
0x2: {  	[smem:$0x3F9C] =	sst lr;
	_ =	strace $0xD0000000  }
0x3: {  	_ = 	snop  }
0x4: {  	_ = 	snop  }
0x5: {  	_ = 	snop  }
0x6: {  	_ = 	snop  }
0x7: {  	_ = 	snop  }
__scs_overlays_trampoline_lowered:
0x8: {  	[smem:$0x3FAB] =	sst s0  }
0x9: {  	[smem:$0x3FAC] =	sst s1  }
0xa: {  	[smem:$0x3FAD] =	sst s2  }
0xb: {  	[smem:$0x3FAE] =	sst s3  }
0xc: {  	[smem:$0x3FAF] =	sst s4  }
0xd: {  	[smem:$0x3FB0] =	sst s5  }
0xe: {  	[smem:$0x3FB1] =	sst s6  }
0xf: {  	[smem:$0x3FB2] =	sst s7  }
0x10: {  	[smem:$0x3FB3] =	sst s8  }
0x11: {  	[smem:$0x3FB4] =	sst s9;
	s0 =	simm.s32 @!p0 $0x0  }
0x12: {  	s1 =	sld [smem:$0x3F9A];
	s0 =	simm.s32 @p0 $0x1  }
0x13: {  	[smem:$0x3FB5] =	sst s0;
	s0 =	simm.s32 @!p1 $0x0  }
0x14: {  	s2 =	sld [smem:$0x3F99];
	s0 =	simm.s32 @p1 $0x1  }
0x15: {  	[smem:$0x3FB6] =	sst s0;
	s0 =	simm.s32 @!p2 $0x0  }
0x16: {  	s3 =	sld [smem:$0x3FDB];
	s0 =	simm.s32 @p2 $0x1  }
0x17: {  	s4 =	simm.s32 $0x1BF5;
	[smem:$0x3FB8] =	sst s0  }
0x18: {  	s0 =	sld [smem:$0x3F9B];
	_ =	swait.ge [sflag:s4], $0x0  }
0x19: {  	s7 =	sld [smem:$0x3F9C]  }
0x1a: {  	s8 =	sadd.s32 $0xFFFFE003, lr  }
0x1b: {  	s9 =	sadd.s32 $0xFFFFFEF7, lr;
	s5 =	simm.s32 $0xFFFFFFFF;
	p2 =	slt.u32 s8, $0xFFFFF086  }
0x1c: {  	p1 =	slt.u32 s9, $0xF7A;
	s5 =	simm.s32 @!p2 $0x0  }
0x1d: {  	s5 =	simm.s32 @p1 $0x1;
	p0 =	seq.s32 s7, s2  }
0x1e: {  	s7 =	smul.u32 @!p0 $0xF7A, s2;
	p2 =	seq.s32 @!p0 s5, $0x0  }
0x1f: {  	s9 =	smul.u32 $0xF7A, s1;
	s8 =	simm.s32 @!p0 $0x1BF5;
	p2 =	por !p2, p0  }
0x20: {  	[sflag:s8] =	ssyncset.s32 @!p0 $0xFFFFF086;
	s6 =	sadd.s32 @!p0 s3, s7;
	s7 =	simm.s32 @!p0 $0x108  }
0x21: {  	s3 =	sadd.s32 s3, s9;
	s6 =	sadd.s32 @!p0 $0x88, s6;
	s7 =	simm.s32 @p2 $0x1082  }
0x22: {  	[simem:s7], [sflag:s8] =	dma.local @!p0 [hbm:s6], $0xF7A  }
0x23: {  	s9 =	sor.u32 $0xD0000000, s2;
	s6 =	simm.s32 $0x108;
	_ =	swait.ge @!p0 [sflag:s8], $0x0  }
0x24: {  	s3 =	sadd.s32 $0x88, s3;
	s6 =	simm.s32 @!p1 $0x1082;
	[sflag:s4] =	ssyncset.s32 $0xFFFFF086  }
0x25: {  	[simem:s6], [sflag:s4] =	dma.local [hbm:s3], $0xF7A  }
0x26: {  	[smem:$0x3F9C] =	sst s1;
	(tag) =	ssettag s2;
	_ =	strace s9  }
0x27: {  	s1 =	sld [smem:$0x3FAC]  }
0x28: {  	s2 =	sld [smem:$0x3FAD]  }
0x29: {  	s4 =	sld [smem:$0x3FAF]  }
0x2a: {  	p0 =	seq.s32 s5, $0x0;
	s5 =	sld [smem:$0x3FB0]  }
0x2b: {  	s6 =	sld [smem:$0x3FB1]  }
0x2c: {  	s7 =	sld [smem:$0x3FB2]  }
0x2d: {  	s3 =	simm.s32 $0x108;
	s8 =	sld [smem:$0x3FB3]  }
0x2e: {  	s3 =	simm.s32 @!p0 $0x1082;
	s9 =	sld [smem:$0x3FB4]  }
0x2f: {  	lr =	sadd.s32 s0, s3;
	s0 =	sld [smem:$0x3FAB]  }
0x30: {  	s3 =	sld [smem:$0x3FAE]  }
0x31: {  	[smem:$0x3FB7] =	sst s10  }
0x32: {  	s10 =	sld [smem:$0x3FB5];
	_ =	sdelay $0x3  }
0x33: {  	p0 =	seq.s32 s10, $0x1;
	s10 =	sld [smem:$0x3FB7];
	_ =	sdelay $0x3  }
0x34: {  	[smem:$0x3FB7] =	sst s10  }
0x35: {  	s10 =	sld [smem:$0x3FB6];
	_ =	sdelay $0x3  }
0x36: {  	p1 =	seq.s32 s10, $0x1;
	s10 =	sld [smem:$0x3FB7];
	_ =	sdelay $0x3  }
0x37: {  	[smem:$0x3FB7] =	sst s10  }
0x38: {  	s10 =	sld [smem:$0x3FB8]  }
0x39: {  	_ = 	snop;
	(pc) =	sbr.ind lr, $3  }
0x3a: {  	_ = 	snop  }
0x3b: {  	_ = 	snop  }
0x3c: {  	p2 =	seq.s32 s10, $0x1;
	s10 =	sld [smem:$0x3FB7]  }
0x3d: {  	_ =	shalt  }
0x3e: {  	_ =	shalt  }
0x3f: {  	_ =	shalt  }
0x40: {  	_ =	shalt  }
0x41: {  	_ =	shalt  }
0x42: {  	_ =	shalt  }
0x43: {  	_ =	shalt  }
0x44: {  	_ =	shalt  }
0x45: {  	_ =	shalt  }
0x46: {  	_ =	shalt  }
0x47: {  	_ =	shalt  }
0x48: {  	_ =	shalt  }
0x49: {  	_ =	shalt  }
0x4a: {  	_ =	shalt  }
0x4b: {  	_ =	shalt  }
0x4c: {  	_ =	shalt  }
0x4d: {  	_ =	shalt  }
0x4e: {  	_ =	shalt  }
0x4f: {  	_ =	shalt  }
0x50: {  	_ =	shalt  }
0x51: {  	_ =	shalt  }
0x52: {  	_ =	shalt  }
0x53: {  	_ =	shalt  }
0x54: {  	_ =	shalt  }
0x55: {  	_ =	shalt  }
0x56: {  	_ =	shalt  }
0x57: {  	_ =	shalt  }
0x58: {  	_ =	shalt  }
0x59: {  	_ =	shalt  }
0x5a: {  	_ =	shalt  }
0x5b: {  	_ =	shalt  }
0x5c: {  	_ =	shalt  }
0x5d: {  	_ =	shalt  }
0x5e: {  	_ =	shalt  }
0x5f: {  	_ =	shalt  }
0x60: {  	_ =	shalt  }
0x61: {  	_ =	shalt  }
0x62: {  	_ =	shalt  }
0x63: {  	_ =	shalt  }
0x64: {  	_ =	shalt  }
0x65: {  	_ =	shalt  }
0x66: {  	_ =	shalt  }
0x67: {  	_ =	shalt  }
0x68: {  	_ =	shalt  }
0x69: {  	_ =	shalt  }
0x6a: {  	_ =	shalt  }
0x6b: {  	_ =	shalt  }
0x6c: {  	_ =	shalt  }
0x6d: {  	_ =	shalt  }
0x6e: {  	_ =	shalt  }
0x6f: {  	_ =	shalt  }
0x70: {  	_ =	shalt  }
0x71: {  	_ =	shalt  }
0x72: {  	_ =	shalt  }
0x73: {  	_ =	shalt  }
0x74: {  	_ =	shalt  }
0x75: {  	_ =	shalt  }
0x76: {  	_ =	shalt  }
0x77: {  	_ =	shalt  }
0x78: {  	_ =	shalt  }
0x79: {  	_ =	shalt  }
0x7a: {  	_ =	shalt  }
0x7b: {  	_ =	shalt  }
0x7c: {  	_ =	shalt  }
0x7d: {  	_ =	shalt  }
0x7e: {  	_ =	shalt  }
0x7f: {  	_ =	shalt  }
0x80: {  	_ =	shalt  }
0x81: {  	_ =	shalt  }
0x82: {  	_ =	shalt  }
0x83: {  	_ =	shalt  }
0x84: {  	_ =	shalt  }
0x85: {  	_ =	shalt  }
0x86: {  	_ =	shalt  }
0x87: {  	_ =	shalt  }
.Lfunc_end0:
.L_simem_size_0:
called_computation_lowered:
.L_overlay_start_0:
0x88: {  	s2 =	sld [smem:$0x3FD9]  }
0x89: {  	s3 =	sld [smem:$0x3FFE];
	_ =	sdelay $0x1  }
0x8a: {  	s1 =	srdreg.scid  }
0x8b: {  	s0 =	sand.u32 $0x1, s1  }
0x8c: {  	s18 =	sshll.u32 s0, $0xA;
	s2 =	sadd.s32 s3, s2  }
0x8d: {  	s2 =	sadd.s32 s2, s18  }
0x8e: {  	[smem:$0x3FC3] =	sst s2  }
0x8f: {  	_ = 	snop  }
0x90: {  	s2 =	sld [smem:$0x3FC9]  }
0x91: {  	s19 =	sld [smem:$0x3FC8]  }
0x92: {  	s4 =	sld [smem:$0x3FC7]  }
0x93: {  	s5 =	sld [smem:$0x3FC6]  }
0x94: {  	s6 =	sld [smem:$0x3FC5]  }
0x95: {  	s7 =	sld [smem:$0x3FD0];
	(tm) =	ssettm $0x1  }
0x96: {  	s8 =	sld [smem:$0x3FFB];
	_ =	sdelay $0x3  }
0x97: {  	_ =	strace s8  }
0x98: {  	s8 =	sld [smem:$0x3FFC];
	_ =	sdelay $0x3  }
0x99: {  	_ =	strace s8  }
0x9a: {  	s8 =	sld [smem:$0x3FFD];
	_ =	sdelay $0x3  }
0x9b: {  	_ =	strace s8  }
0x9c: {  	_ =	strace $0x8FFFFFFF  }
0x9d: {  	s20 =	sld [smem:$0x3FDB];
	_ =	sdelay $0x1  }
0x9e: {  	s9 =	simm.s32 $_scs_section_size  }
0x9f: {  	s10 =	simm.s32 $_size__tile_overlayer_lowered;
	s11 =	simm.s32 $_tile_overlayer_lowered  }
0xa0: {  	s23 =	simm.s32 $0x1BFF;
	s22 =	sshll.u32 s11, $0x1;
	s8 =	sadd.s32 s9, s20  }
0xa1: {  	s12 =	simm.s32 $0x0;
	s21 =	sshll.u32 s10, $0x1;
	s10 =	sadd.s32 s22, s8  }
0xa2: {  	[timem:s12], [sflag:s23] =	dma.local [hbm:s10], s21  }
0xa3: {  	_ =	swait.ge [sflag:s23], s21  }
0xa4: {  	s9 =	ssub.s32 $0x0, s21;
	[sflag:s23] =	ssyncset.done $0x0  }
0xa5: {  	[sflag:s23] =	ssyncadd.s32 s9;
	_ =	sdelay $0x1  }
0xa6: {  	s24 =	simm.s32 $0x1B8B  }
0xa7: {  	_ =	swait.ge [sflag:s24], $0x1  }
0xa8: {  	[sflag:s24] =	ssyncset.done $0x0  }
0xa9: {  	s25 =	simm.s32 $0x1B8E;
	[sflag:s24] =	ssyncadd.s32 $0xFFFFFFFF  }
0xaa: {  	s26 =	simm.s32 $execute0_lowered;
	[smem:$0x3FD2] =	sst s25  }
0xab: {  	s9 =	sshll.u32 s26, $0x1;
	_ =	strace $0x80000046;
	[dreg:$0x1] =	wrdreg $0xFFFFFFFF  }
0xac: {  	s28 =	simm.s32 $_size_execute0_lowered;
	s8 =	sadd.s32 s8, s9;
	[dreg:$0x0] =	wrdreg $0x0  }
0xad: {  	s9 =	sshll.u32 s28, $0x1;
	[dreg:$0x2] =	wrdreg s8  }
0xae: {  	[dreg:$0x3] =	wrdreg s9  }
0xaf: {  	[dreg:$0x4] =	wrdreg $0xC0  }
0xb0: {  	_ =	task [dreg:s12], $0x5FFFF  }
0xb1: {  	[dreg:$0x1] =	wrdreg $0xFFFFFFFF  }
0xb2: {  	[dreg:$0x0] =	wrdreg $0x60  }
0xb3: {  	[dreg:$0x2] =	wrdreg s2  }
0xb4: {  	[dreg:$0x3] =	wrdreg s4  }
0xb5: {  	[dreg:$0x4] =	wrdreg s19  }
0xb6: {  	[dreg:$0x5] =	wrdreg s5  }
0xb7: {  	[dreg:$0x6] =	wrdreg s6  }
0xb8: {  	[dreg:$0x7] =	wrdreg s7  }
0xb9: {  	[dreg:$0x8] =	wrdreg $0x9  }
0xba: {  	_ =	task.clear_ibuf [dreg:s12], $0x9FFFF;
	_ =	strace $0x90000046  }
0xbb: {  	s29 =	simm.s32 $0x9;
	_ =	strace $0x80000048  }
0xbc: {  	_ =	swait.ge [sflag:s29], $0x1  }
0xbd: {  	[sflag:s29] =	ssyncadd.s32 $0xFFFFFFFF  }
0xbe: {  	_ =	strace $0x90000048  }
0xbf: {  	_ =	sfence  }
0xc0: {  	s30 =	sld [smem:$0x0];
	_ =	sdelay $0x2  }
0xc1: {  	s31 =	sshll.u32 s1, $0xD;
	s1 =	sshrl.u32 s1, $0x2  }
0xc2: {  	s3 =	sand.u32 $0x4000, s31;
	s1 =	sadd.s32 s1, s30  }
0xc3: {  	s0 =	sor.u32 s3, s0;
	s1 =	sshll.u32 s1, $0x11  }
0xc4: {  	s0 =	sor.u32 s1, s0  }
0xc5: {  	s0 =	sadd.s32 $0x8F2B, s0  }
0xc6: {  	[sflag:s0] =	ssyncadd.remote.s32 $0x1  }
0xc7: {  	_ =	sfence.sel $0xFFFF  }
0xc8: {  	[dreg:$0x0] =	wrdreg $0xFFFFFFFF;
	(pc) =	sbr.abs _section_cstart, $3  }
0xc9: {  	[dreg:$0x1] =	wrdreg $0xFFFFFFFF  }
0xca: {  	_ =	task.clear_ibuf [dreg:s12], $0x2FFFF;
	_ =	strace $0x9FFFFFFF  }
0xcb: {  	(tm) =	ssettm $0x7FFFFFFF  }
tec
execute0_lowered:
.L_overlay_start_1:
0x0: {  	(tag) =	ssettag $0x1  }
0x1: {  	s0 =	rddreg [dreg:$0x0]  }
0x2: {  	s3 =	rddreg [dreg:$0x1]  }
0x3: {  	s7 =	rddreg [dreg:$0x2]  }
0x4: {  	s1 =	rddreg [dreg:$0x3]  }
0x5: {  	s2 =	rddreg [dreg:$0x4]  }
0x6: {  	s8 =	rddreg [dreg:$0x5];
	s4 =	simm.s32 $0x0;
	s5 =	srdreg.scid  }
0x7: {  	s9 =	stileid.u32;
	s11 =	simm.s32 $0x400;
	s12 =	simm.s32 $0x1  }
0x8: {  	s13 =	simm.s32 $0x40;
	s14 =	simm.s32 $0x600;
	s15 =	simm.s32 $0x4600  }
0x9: {  	s16 =	simm.s32 $0x8600;
	s17 =	simm.s32 $0x2600;
	s18 =	simm.s32 $0x6600  }
0xa: {  	s19 =	simm.s32 $0xA600;
	s20 =	simm.s32 $0xC600;
	s21 =	simm.s32 $0x2  }
0xb: {  	s22 =	simm.s32 $0xE600;
	s23 =	simm.s32 $0x3;
	s5 =	sand.u32 $0x1, s5  }
0xc: {  	s24 =	simm.s32 $0x0;
	[smem:$0x7FF] =	sst s4;
	s6 =	ssub.s32 $0x2, s5  }
0xd: {  	s9 =	sshll.u32 s9, $0x7;
	s5 =	sshll.u32 s5, $0x6;
	s10 =	sshrl.u32 s6, $0x1  }
0xe: {  	_ =	strace $0x80000047;
	s9 =	sor.u32 s5, s9;
	s10 =	ssub.s32 s6, s10  }
0xf: {  	v0 =	vlaneseq.u32;
	s5 =	sadd.s32 s0, s9;
	s6 =	sadd.s32 s3, s9;
	s7 =	sadd.s32 s7, s9  }
0x10: {  	v0 =	vmul.u32 $0x80, v0;
	s8 =	sadd.s32 s8, s9;
	s9 =	smax.u32 s10, $0x1;
	s10 =	simm.s32 $0x200  }
.LBB2_1:
0x11: {  	[tilespmem:s4], [sflag:$0x1] =	stream.linear.gather [hbm4b:s5+s4], $0x200, $0x38;
	[tilespmem:$0xE800] =	vst v63  }
0x12: {  	_ = 	snop  }
0x13: {  	[tilespmem:s10], [sflag:$0x1] =	stream.linear.gather [hbm4b:s6+s4], $0x200, $0x38;
	[tilespmem:$0xE800] =	vst v63  }
0x14: {  	_ = 	snop  }
0x15: {  	[tilespmem:s11], [sflag:$0x1] =	stream.linear.gather [hbm4b:s7+s4], $0x200, $0x38;
	[tilespmem:$0xE800] =	vst v63  }
0x16: {  	_ =	swait.ge [sflag:s12], $0x200  }
0x17: {  	[sflag:s12] =	ssyncset.done $0x0  }
0x18: {  	[sflag:s12] =	ssyncadd.s32 $0xFFFFFE00  }
0x19: {  	_ =	swait.ge [sflag:s12], $0x200  }
0x1a: {  	[sflag:s12] =	ssyncset.done $0x0  }
0x1b: {  	[sflag:s12] =	ssyncadd.s32 $0xFFFFFE00  }
0x1c: {  	_ =	swait.ge [sflag:s12], $0x200  }
0x1d: {  	[sflag:s12] =	ssyncset.done $0x0  }
0x1e: {  	[sflag:s12] =	ssyncadd.s32 $0xFFFFFE00  }
0x1f: {  	[tilespmem:s14], [sflag:$0x1] =	stream.indirect.gather [hbm4b:s1+s13], $0x80, s4, s13, $0xb8;
	[tilespmem:$0xE800] =	vst v63  }
0x20: {  	_ = 	snop  }
0x21: {  	[tilespmem:s15], [sflag:$0x1] =	stream.indirect.gather [hbm4b:s1+s13], $0x80, s10, s13, $0xb8;
	[tilespmem:$0xE800] =	vst v63  }
0x22: {  	s25 =	simm.s32 $0xE640;
	s26 =	simm.s32 $0xE600;
	s28 =	simm.s32 $0x0  }
0x23: {  	[tilespmem:s16], [sflag:$0x1] =	stream.indirect.gather [hbm4b:s2+s13], $0x80, s11, s13, $0xb8;
	[tilespmem:$0xE800] =	vst v63  }
.LBB2_2:
0x24: {  	s0 =	sshll.u32 s28, $0x7  }
0x25: {  	s3 =	sor.u32 $0x40, s0  }
0x26: {  	[tilespmem:s17], [sflag:$0x2] =	stream.indirect.gather [hbm4b:s1+s13], $0x80, s3, s13, $0xb8;
	[tilespmem:$0xE800] =	vst v63  }
0x27: {  	s3 =	sadd.s32 $0x240, s0  }
0x28: {  	[tilespmem:s18], [sflag:$0x2] =	stream.indirect.gather [hbm4b:s1+s13], $0x80, s3, s13, $0xb8;
	[tilespmem:$0xE800] =	vst v63  }
0x29: {  	s0 =	sadd.s32 $0x440, s0  }
0x2a: {  	[tilespmem:s19], [sflag:$0x2] =	stream.indirect.gather [hbm4b:s2+s13], $0x80, s0, s13, $0xb8;
	[tilespmem:$0xE800] =	vst v63  }
0x2b: {  	_ =	swait.ge [sflag:s12], $0x2000  }
0x2c: {  	[sflag:s12] =	ssyncset.done $0x0  }
0x2d: {  	[sflag:s12] =	ssyncadd.s32 $0xFFFFE000  }
0x2e: {  	_ =	swait.ge [sflag:s12], $0x2000  }
0x2f: {  	[sflag:s12] =	ssyncset.done $0x0  }
0x30: {  	[sflag:s12] =	ssyncadd.s32 $0xFFFFE000  }
0x31: {  	_ =	swait.ge [sflag:s12], $0x2000  }
0x32: {  	[sflag:s12] =	ssyncset.done $0x0  }
0x33: {  	s29 =	simm.s32 $0x0;
	[sflag:s12] =	ssyncadd.s32 $0xFFFFE000  }
0x34: {  	v1 =	vld [tilespmem:s29+$0x620]  }
0x35: {  	v2 =	vld [tilespmem:s29+$0x4610]  }
0x36: {  	v3 =	vld [tilespmem:s29+$0x4650]  }
0x37: {  	v4 =	vld [tilespmem:s29+$0x4640]  }
0x38: {  	v5 =	vld [tilespmem:s29+$0x8630]  }
0x39: {  	v6 =	vld [tilespmem:s29+$0x650]  }
0x3a: {  	v7 =	vld [tilespmem:s29+$0x8650]  }
0x3b: {  	v8 =	vld [tilespmem:s29+$0x610]  }
0x3c: {  	v9 =	vld [tilespmem:s29+$0x8610]  }
0x3d: {  	v10 =	vld [tilespmem:s29+$0x8600]  }
0x3e: {  	v11 =	vld [tilespmem:s29+$0x8640]  }
0x3f: {  	v12 =	vld [tilespmem:s29+$0x600]  }
0x40: {  	v13 =	vld [tilespmem:s29+$0x640]  }
0x41: {  	v14 =	vld [tilespmem:s29+$0x660]  }
0x42: {  	v15 =	vld [tilespmem:s29+$0x8660]  }
0x43: {  	v16 =	vld [tilespmem:s29+$0x8620]  }
0x44: {  	v17 =	vld [tilespmem:s29+$0x630]  }
0x45: {  	v18 =	vld [tilespmem:s29+$0x670]  }
0x46: {  	v21 =	vld [tilespmem:s29+$0x8670];
	v19 =	vmul.f32 v11, v12;
	v20 =	vmul.f32 v10, v13  }
0x47: {  	s30 =	simm.s32 $0x80;
	v24 =	vld [tilespmem:s29+$0x4660];
	v22 =	vmul.f32 v7, v6;
	v23 =	vmul.f32 v9, v8  }
0x48: {  	v27 =	vld [tilespmem:s30+$0x8660];
	v6 =	vmul.f32 v9, v6;
	v7 =	vmul.f32 v7, v8  }
0x49: {  	v8 =	vld [tilespmem:s29+$0x4600];
	v10 =	vmul.f32 v10, v12;
	v11 =	vmul.f32 v11, v13;
	v9 =	vadd.f32 v19, v20  }
0x4a: {  	v32 =	vld [tilespmem:s30+$0x670];
	v13 =	vmul.f32 v15, v14;
	v19 =	vsub.f32 v23, v22;
	v7 =	vadd.f32 v7, v6  }
0x4b: {  	v33 =	vld [tilespmem:s30+$0x8670];
	v10 =	vsub.f32 v10, v11;
	v11 =	vmul.f32 v15, v1;
	v15 =	vmul.f32 v5, v18  }
0x4c: {  	v12 =	vld [tilespmem:s29+$0x4620];
	v18 =	vmul.f32 v21, v18;
	v5 =	vmul.f32 v5, v17;
	v4 =	vsub.f32 v9, v4  }
0x4d: {  	v20 =	vld [tilespmem:s29+$0x4670];
	v1 =	vmul.f32 v16, v1;
	v2 =	vsub.f32 v19, v2;
	v3 =	vsub.f32 v7, v3  }
0x4e: {  	v9 =	vld [tilespmem:s29+$0x4630];
	v19 =	vmul.f32 v21, v17;
	v7 =	vmul.f32 v16, v14;
	v8 =	vsub.f32 v10, v8  }
0x4f: {  	v6 =	vld [tilespmem:s30+$0x620];
	v5 =	vsub.f32 v5, v18;
	v4 =	vmul.f32 v4, v4;
	v3 =	vmul.f32 v3, v3  }
0x50: {  	v22 =	vld [tilespmem:s30+$0x640];
	v10 =	vadd.f32 v19, v15;
	v2 =	vmul.f32 v2, v2;
	v8 =	vmul.f32 v8, v8  }
0x51: {  	v7 =	vadd.f32 v11, v7;
	v11 =	vsub.f32 v1, v13;
	v13 =	vld [tilespmem:s30+$0x650]  }
0x52: {  	v3 =	vadd.f32 v3, v2;
	v1 =	vadd.f32 v4, v8;
	v4 =	vld [tilespmem:s30+$0x8650]  }
0x53: {  	v5 =	vsub.f32 v5, v9;
	v9 =	vsub.f32 v11, v12;
	v11 =	vld [tilespmem:s30+$0x610]  }
0x54: {  	v8 =	vsub.f32 v7, v24;
	v7 =	vld [tilespmem:s30+$0x8630]  }
0x55: {  	v16 =	vshra.s32 v3, $0x1;
	v2 =	vmul.f32 v5, v5;
	v5 =	vsub.f32 v10, v20;
	v10 =	vld [tilespmem:s30+$0x8610]  }
0x56: {  	v12 =	vmul.f32 v8, v8;
	v15 =	vmul.f32 v9, v9;
	v8 =	vshra.s32 v1, $0x1;
	v20 =	vld [tilespmem:s30+$0x8640]  }
0x57: {  	v9 =	vsub.s32 $0x5F3759DF, v8;
	v8 =	vsub.s32 $0x5F3759DF, v16;
	v16 =	vld [tilespmem:s30+$0x600];
	v19 =	vmul.f32 v5, v5  }
0x58: {  	v21 =	vld [tilespmem:s30+$0x8600];
	v5 =	vadd.f32 v12, v15;
	v15 =	vmul.f32 v8, v3;
	v23 =	vmul.f32 v9, v1  }
0x59: {  	v17 =	vld [tilespmem:s30+$0x4610];
	v28 =	vmul.f32 v7, v32;
	v2 =	vadd.f32 v19, v2;
	v19 =	vmul.f32 v4, v13  }
0x5a: {  	v14 =	vld [tilespmem:s30+$0x4650];
	v24 =	vshra.s32 v5, $0x1;
	v30 =	vmul.f32 v8, v15;
	v25 =	vmul.f32 v10, v11  }
0x5b: {  	v18 =	vld [tilespmem:s30+$0x4640];
	v13 =	vmul.f32 v10, v13;
	v11 =	vmul.f32 v4, v11;
	v10 =	vsub.s32 $0x5F3759DF, v24  }
0x5c: {  	v12 =	vld [tilespmem:s30+$0x660];
	v26 =	vshra.s32 v2, $0x1;
	v24 =	vmul.f32 v20, v16;
	v20 =	vmul.f32 v20, v22  }
0x5d: {  	v15 =	vld [tilespmem:s30+$0x630];
	v19 =	vsub.f32 v25, v19;
	v25 =	vmul.f32 v21, v16;
	v11 =	vadd.f32 v11, v13  }
0x5e: {  	v4 =	vsub.s32 $0x5F3759DF, v26;
	v26 =	vmul.f32 v10, v5;
	v21 =	vmul.f32 v21, v22  }
0x5f: {  	v31 =	vmul.f32 v4, v2;
	v13 =	vsub.f32 v19, v17;
	v11 =	vsub.f32 v11, v14  }
0x60: {  	v17 =	vmul.f32 v9, v23;
	v21 =	vadd.f32 v24, v21;
	v34 =	vmul.f32 v10, v26;
	v26 =	vld [tilespmem:s30+$0x4600]  }
0x61: {  	v16 =	vld [tilespmem:s30+$0x8620];
	v23 =	vsub.f32 v25, v20;
	v19 =	vmul.f32 v27, v12;
	v20 =	vmul.f32 v27, v6  }
0x62: {  	v14 =	vld [tilespmem:s30+$0x4660];
	v29 =	vmul.f32 v33, v15;
	v27 =	vsub.f32 $3.000000000e+00, v30;
	v21 =	vsub.f32 v21, v18  }
0x63: {  	v24 =	vld [tilespmem:s30+$0x4630];
	v30 =	vmul.f32 v33, v32;
	v25 =	vsub.f32 $3.000000000e+00, v17;
	v18 =	vmul.f32 v11, v11  }
0x64: {  	s31 =	simm.s32 $0x0;
	s0 =	simm.s32 $0x400;
	v17 =	vld [tilespmem:s30+$0x4620];
	v11 =	vmul.f32 v4, v31;
	v22 =	vmul.f32 v21, v21;
	v21 =	vsub.f32 $3.000000000e+00, v34  }
.LBB2_3:
0x65: {  	s3 =	sshra.s32 s0, $0x2;
	p0 =	sne.s32 s0, $0x7E00;
	s0 =	sadd.s32 $0x200, s0;
	v23 =	vsub.f32 v23, v26;
	v26 =	vld [tilespmem:s30+$0x4670];
	v7 =	vmul.f32 v7, v15;
	v9 =	vmul.f32 v9, v25  }
0x66: {  	v12 =	vmul.f32 v16, v12;
	v25 =	vadd.f32 v29, v28;
	v15 =	vld [tilespmem:s3+$0x620]  }
0x67: {  	v6 =	vmul.f32 v16, v6;
	v8 =	vmul.f32 v8, v27;
	v28 =	vld [tilespmem:s3+$0x4610];
	v7 =	vsub.f32 v7, v30  }
0x68: {  	v13 =	vmul.f32 v13, v13;
	v16 =	vmul.f32 v23, v23;
	v12 =	vadd.f32 v20, v12;
	v27 =	vld [tilespmem:s3+$0x4650]  }
0x69: {  	v10 =	vmul.f32 v10, v21;
	v19 =	vsub.f32 v6, v19;
	v29 =	vld [tilespmem:s3+$0x4640];
	v23 =	vsub.f32 v7, v24  }
0x6a: {  	v20 =	vmul.f32 v8, v3;
	v3 =	vadd.f32 v18, v13;
	v16 =	vadd.f32 v22, v16;
	v7 =	vld [tilespmem:s3+$0x8630]  }
0x6b: {  	v10 =	vmul.f32 v10, v5;
	v8 =	vsub.f32 v12, v14;
	v13 =	vld [tilespmem:s3+$0x650];
	v12 =	vmul.f32 v23, v23;
	v6 =	vmovc v15  }
0x6c: {  	v5 =	vsub.f32 v19, v17;
	v17 =	vmul.f32 v9, v1;
	v15 =	vsub.f32 v25, v26;
	v1 =	vmovc v16;
	v14 =	vld [tilespmem:s3+$0x8650]  }
0x6d: {  	v18 =	vshra.s32 v3, $0x1;
	v19 =	vmul.f32 v8, v8;
	v9 =	vshra.s32 v1, $0x1;
	v16 =	vld [tilespmem:s3+$0x610]  }
0x6e: {  	v5 =	vmul.f32 v5, v5;
	v9 =	vsub.s32 $0x5F3759DF, v9;
	v15 =	vmul.f32 v15, v15;
	v21 =	vld [tilespmem:s3+$0x8610]  }
0x6f: {  	v11 =	vsub.f32 $3.000000000e+00, v11;
	v8 =	vsub.s32 $0x5F3759DF, v18;
	v17 =	vadd.f32 $0.0e+00, v17;
	v22 =	vld [tilespmem:s3+$0x8600]  }
0x70: {  	v23 =	vmul.f32 v8, v3;
	v5 =	vadd.f32 v19, v5;
	v15 =	vadd.f32 v15, v12;
	v18 =	vld [tilespmem:s3+$0x8640]  }
0x71: {  	v11 =	vmul.f32 v4, v11;
	v17 =	vadd.f32 v20, v17;
	v19 =	vld [tilespmem:s3+$0x600];
	v24 =	vmul.f32 v14, v13  }
0x72: {  	v25 =	vmul.f32 v9, v1;
	v26 =	vshra.s32 v5, $0x1;
	v4 =	vshra.s32 v15, $0x1;
	v20 =	vld [tilespmem:s3+$0x640]  }
0x73: {  	v17 =	vadd.f32 v10, v17;
	v30 =	vmul.f32 v21, v16;
	v13 =	vmul.f32 v21, v13;
	v12 =	vld [tilespmem:s3+$0x660]  }
0x74: {  	v11 =	vmul.f32 v11, v2;
	v2 =	vmovc v15;
	v14 =	vmul.f32 v14, v16;
	v4 =	vsub.s32 $0x5F3759DF, v4;
	v21 =	vld [tilespmem:s3+$0x8660]  }
0x75: {  	v10 =	vsub.s32 $0x5F3759DF, v26;
	v24 =	vsub.f32 v30, v24;
	v16 =	vld [tilespmem:s3+$0x8620];
	v30 =	vmul.f32 v8, v23  }
0x76: {  	v11 =	vadd.f32 v11, v17;
	v32 =	vmul.f32 v4, v2;
	v31 =	vmul.f32 v18, v19;
	v15 =	vld [tilespmem:s3+$0x630]  }
0x77: {  	v34 =	vmul.f32 v10, v5;
	v14 =	vadd.f32 v14, v13;
	v17 =	vmul.f32 v22, v19;
	v33 =	vld [tilespmem:s3+$0x670]  }
0x78: {  	v18 =	vmul.f32 v18, v20;
	v19 =	vmul.f32 v22, v20;
	v13 =	vsub.f32 v24, v28;
	v35 =	vld [tilespmem:s3+$0x8670];
	[tilespmem:s29+$0xC600] =	vst v11;
	s29 =	smov.u32 s30;
	s30 =	smov.u32 s3  }
0x79: {  	v22 =	vmul.f32 v9, v25;
	v11 =	vsub.f32 v14, v27;
	v14 =	vld [tilespmem:s30+$0x4660]  }
.Ltmp0:
0x7a: {  	v23 =	vsub.f32 v17, v18;
	v18 =	vadd.f32 v31, v19;
	v19 =	vmul.f32 v21, v12;
	v26 =	vld [tilespmem:s30+$0x4600];
	(pc) =	sbr.rel @p0 .LBB2_3-.Ltmp0, $4  }
0x7b: {  	v20 =	vmul.f32 v21, v6;
	v25 =	vsub.f32 $3.000000000e+00, v22;
	v21 =	vmul.f32 v10, v34;
	v17 =	vld [tilespmem:s30+$0x4620]  }
0x7c: {  	v22 =	vsub.f32 v18, v29;
	v18 =	vmul.f32 v11, v11;
	v28 =	vmul.f32 v7, v33  }
0x7d: {  	v27 =	vsub.f32 $3.000000000e+00, v30;
	v11 =	vmul.f32 v4, v32;
	v29 =	vmul.f32 v35, v15  }
0x7e: {  	v21 =	vsub.f32 $3.000000000e+00, v21;
	v22 =	vmul.f32 v22, v22;
	v30 =	vmul.f32 v35, v33;
	v24 =	vld [tilespmem:s30+$0x4630]  }
0x7f: {  	v12 =	vmul.f32 v16, v12  }
0x80: {  	v6 =	vmul.f32 v16, v6;
	v52 =	vsub.f32 v23, v26;
	v53 =	vld [tilespmem:s30+$0x4670];
	v7 =	vmul.f32 v7, v15  }
0x81: {  	v54 =	vadd.f32 v29, v28;
	v13 =	vmul.f32 v13, v13;
	v12 =	vadd.f32 v20, v12  }
0x82: {  	v6 =	vsub.f32 v6, v19;
	v7 =	vsub.f32 v7, v30;
	v16 =	vmul.f32 v52, v52  }
0x83: {  	v9 =	vmul.f32 v9, v25;
	v13 =	vadd.f32 v18, v13;
	v12 =	vsub.f32 v12, v14  }
0x84: {  	v8 =	vmul.f32 v8, v27;
	v6 =	vsub.f32 v6, v17;
	v55 =	vadd.f32 v22, v16  }
0x85: {  	v7 =	vsub.f32 v7, v24;
	v56 =	vshra.s32 v13, $0x1;
	v15 =	vsub.f32 v54, v53  }
0x86: {  	v12 =	vmul.f32 v12, v12;
	v6 =	vmul.f32 v6, v6;
	v16 =	vshra.s32 v55, $0x1  }
0x87: {  	v7 =	vmul.f32 v7, v7;
	v16 =	vsub.s32 $0x5F3759DF, v16;
	v15 =	vmul.f32 v15, v15  }
0x88: {  	v6 =	vadd.f32 v12, v6;
	v57 =	vmul.f32 v16, v55;
	v12 =	vsub.s32 $0x5F3759DF, v56  }
0x89: {  	v10 =	vmul.f32 v10, v21;
	v7 =	vadd.f32 v15, v7;
	v18 =	vmul.f32 v12, v13  }
0x8a: {  	v3 =	vmul.f32 v8, v3;
	v58 =	vshra.s32 v6, $0x1;
	v17 =	vmul.f32 v16, v57  }
0x8b: {  	v15 =	vsub.s32 $0x5F3759DF, v58;
	v8 =	vshra.s32 v7, $0x1;
	v18 =	vmul.f32 v12, v18  }
0x8c: {  	v59 =	vmul.f32 v15, v6;
	v8 =	vsub.s32 $0x5F3759DF, v8;
	v17 =	vsub.f32 $3.000000000e+00, v17  }
0x8d: {  	v5 =	vmul.f32 v10, v5;
	v60 =	vmul.f32 v8, v7  }
0x8e: {  	v10 =	vsub.f32 $3.000000000e+00, v18;
	v19 =	vmul.f32 v15, v59;
	v16 =	vmul.f32 v16, v17  }
0x8f: {  	v11 =	vsub.f32 $3.000000000e+00, v11;
	v1 =	vmul.f32 v9, v1;
	v9 =	vmul.f32 v8, v60  }
0x90: {  	v10 =	vmul.f32 v12, v10;
	v61 =	vsub.f32 $3.000000000e+00, v19;
	v62 =	vmul.f32 v16, v55  }
0x91: {  	v1 =	vadd.f32 $0.0e+00, v1;
	v9 =	vsub.f32 $3.000000000e+00, v9  }
0x92: {  	v10 =	vmul.f32 v10, v13;
	v63 =	vmul.f32 v15, v61;
	v12 =	vadd.f32 $0.0e+00, v62  }
0x93: {  	v1 =	vadd.f32 v3, v1;
	v3 =	vmul.f32 v4, v11;
	v8 =	vmul.f32 v8, v9  }
0x94: {  	v9 =	vmov s31;
	v4 =	vmul.f32 v63, v6;
	v6 =	vadd.f32 v10, v12  }
0x95: {  	v1 =	vadd.f32 v5, v1;
	v2 =	vmul.f32 v3, v2;
	v3 =	vshll.u32 v9, $0x7  }
0x96: {  	v5 =	vmul.f32 v8, v7;
	v3 =	vor.u32 v0, v3;
	v4 =	vadd.f32 v4, v6  }
0x97: {  	v1 =	vadd.f32 v2, v1  }
0x98: {  	v2 =	vadd.f32 v5, v4;
	v4 =	vor.u32 $0x1, v3  }
0x99: {  	[tilespmem:s29+$0xC600] =	vst v1  }
0x9a: {  	v1 =	vor.u32 $0x2, v3;
	[tilespmem:s30+$0xC600] =	vst v2  }
0x9b: {  	v2 =	vld.idx.msk [tilespmem:v3+s20+$0x0], $0xffff  }
0x9c: {  	v5 =	vor.u32 $0x3, v3  }
0x9d: {  	v4 =	vld.idx.msk [tilespmem:v4+s20+$0x0], $0xffff  }
0x9e: {  	v6 =	vor.u32 $0x4, v3  }
0x9f: {  	v1 =	vld.idx.msk [tilespmem:v1+s20+$0x0], $0xffff  }
0xa0: {  	v7 =	vor.u32 $0x5, v3;
	v2 =	vadd.f32 $0.0e+00, v2  }
0xa1: {  	v5 =	vld.idx.msk [tilespmem:v5+s20+$0x0], $0xffff  }
0xa2: {  	v8 =	vor.u32 $0x6, v3;
	v2 =	vadd.f32 v4, v2  }
0xa3: {  	v4 =	vld.idx.msk [tilespmem:v6+s20+$0x0], $0xffff  }
0xa4: {  	v6 =	vor.u32 $0x7, v3;
	v1 =	vadd.f32 v1, v2  }
0xa5: {  	v2 =	vld.idx.msk [tilespmem:v7+s20+$0x0], $0xffff  }
0xa6: {  	v7 =	vor.u32 $0x8, v3;
	v1 =	vadd.f32 v5, v1  }
0xa7: {  	v5 =	vld.idx.msk [tilespmem:v8+s20+$0x0], $0xffff  }
0xa8: {  	v8 =	vor.u32 $0x9, v3;
	v1 =	vadd.f32 v4, v1  }
0xa9: {  	v4 =	vld.idx.msk [tilespmem:v6+s20+$0x0], $0xffff  }
0xaa: {  	v6 =	vor.u32 $0xA, v3;
	v1 =	vadd.f32 v2, v1  }
0xab: {  	v2 =	vld.idx.msk [tilespmem:v7+s20+$0x0], $0xffff  }
0xac: {  	v7 =	vor.u32 $0xB, v3;
	v1 =	vadd.f32 v5, v1  }
0xad: {  	v5 =	vld.idx.msk [tilespmem:v8+s20+$0x0], $0xffff  }
0xae: {  	v8 =	vor.u32 $0xC, v3;
	v1 =	vadd.f32 v4, v1  }
0xaf: {  	v4 =	vld.idx.msk [tilespmem:v6+s20+$0x0], $0xffff  }
0xb0: {  	v6 =	vor.u32 $0xD, v3;
	v1 =	vadd.f32 v2, v1  }
0xb1: {  	v2 =	vld.idx.msk [tilespmem:v7+s20+$0x0], $0xffff  }
0xb2: {  	v7 =	vor.u32 $0xE, v3;
	v1 =	vadd.f32 v5, v1  }
0xb3: {  	v5 =	vld.idx.msk [tilespmem:v8+s20+$0x0], $0xffff  }
0xb4: {  	v3 =	vor.u32 $0xF, v3;
	v1 =	vadd.f32 v4, v1  }
0xb5: {  	v4 =	vld.idx.msk [tilespmem:v6+s20+$0x0], $0xffff  }
0xb6: {  	v1 =	vadd.f32 v2, v1  }
0xb7: {  	v2 =	vld.idx.msk [tilespmem:v7+s20+$0x0], $0xffff  }
0xb8: {  	v1 =	vadd.f32 v5, v1  }
0xb9: {  	v3 =	vld.idx.msk [tilespmem:v3+s20+$0x0], $0xffff  }
0xba: {  	v1 =	vadd.f32 v4, v1  }
0xbb: {  	s0 =	simm.s32 $0x10  }
0xbc: {  	v4 =	vmov s0;
	v2 =	vadd.f32 v2, v1  }
0xbd: {  	v1 =	vshll.u32 v4, $0x7  }
0xbe: {  	v1 =	vor.u32 v0, v1;
	v2 =	vadd.f32 v3, v2  }
0xbf: {  	v9 =	vor.u32 $0x1, v1;
	v8 =	vor.u32 $0x2, v1;
	v7 =	vor.u32 $0x3, v1  }
0xc0: {  	v6 =	vor.u32 $0x4, v1;
	v4 =	vor.u32 $0x5, v1;
	v5 =	vor.u32 $0x6, v1  }
0xc1: {  	s29 =	smov.u32 s26;
	s0 =	simm.s32 $0x20;
	v3 =	vor.u32 $0x7, v1;
	v10 =	vmul.f32 $-5.000000000e-01, v2;
	v2 =	vor.u32 $0x8, v1  }
.LBB2_5:
0xc2: {  	p0 =	sne.s32 s0, $0x30  }
0xc3: {  	v11 =	vor.u32 $0x9, v1;
	v12 =	vor.u32 $0xA, v1;
	v13 =	vor.u32 $0xB, v1;
	[tilespmem:s29+$0x0] =	vst v10;
	s29 =	sadd.s32 $0x10, s29;
	s3 =	smov.u32 s0;
	s0 =	sadd.s32 $0x10, s0  }
0xc4: {  	v14 =	vor.u32 $0xC, v1;
	v15 =	vor.u32 $0xD, v1;
	v16 =	vor.u32 $0xE, v1;
	v10 =	vld.idx.msk [tilespmem:v1+s20+$0x0], $0xffff  }
0xc5: {  	v1 =	vor.u32 $0xF, v1  }
0xc6: {  	v9 =	vld.idx.msk [tilespmem:v9+s20+$0x0], $0xffff;
	_ =	sdelay $0x1  }
0xc7: {  	v8 =	vld.idx.msk [tilespmem:v8+s20+$0x0], $0xffff;
	_ =	sdelay $0x1  }
0xc8: {  	v10 =	vadd.f32 $0.0e+00, v10;
	v7 =	vld.idx.msk [tilespmem:v7+s20+$0x0], $0xffff;
	_ =	sdelay $0x1  }
0xc9: {  	v9 =	vadd.f32 v9, v10;
	v6 =	vld.idx.msk [tilespmem:v6+s20+$0x0], $0xffff;
	_ =	sdelay $0x1  }
0xca: {  	v8 =	vadd.f32 v8, v9;
	v4 =	vld.idx.msk [tilespmem:v4+s20+$0x0], $0xffff;
	_ =	sdelay $0x1  }
0xcb: {  	v7 =	vadd.f32 v7, v8;
	v5 =	vld.idx.msk [tilespmem:v5+s20+$0x0], $0xffff;
	_ =	sdelay $0x1  }
0xcc: {  	v6 =	vadd.f32 v6, v7;
	v3 =	vld.idx.msk [tilespmem:v3+s20+$0x0], $0xffff;
	_ =	sdelay $0x1  }
0xcd: {  	v4 =	vadd.f32 v4, v6;
	v2 =	vld.idx.msk [tilespmem:v2+s20+$0x0], $0xffff;
	_ =	sdelay $0x1  }
0xce: {  	v4 =	vadd.f32 v5, v4;
	v5 =	vld.idx.msk [tilespmem:v11+s20+$0x0], $0xffff;
	_ =	sdelay $0x1  }
0xcf: {  	v3 =	vadd.f32 v3, v4;
	v4 =	vld.idx.msk [tilespmem:v12+s20+$0x0], $0xffff;
	_ =	sdelay $0x1  }
0xd0: {  	v2 =	vadd.f32 v2, v3;
	v3 =	vld.idx.msk [tilespmem:v13+s20+$0x0], $0xffff;
	_ =	sdelay $0x1  }
0xd1: {  	v2 =	vadd.f32 v5, v2;
	v5 =	vld.idx.msk [tilespmem:v14+s20+$0x0], $0xffff;
	_ =	sdelay $0x1  }
0xd2: {  	v2 =	vadd.f32 v4, v2;
	v4 =	vld.idx.msk [tilespmem:v15+s20+$0x0], $0xffff;
	_ =	sdelay $0x1  }
0xd3: {  	v2 =	vadd.f32 v3, v2;
	v3 =	vld.idx.msk [tilespmem:v16+s20+$0x0], $0xffff;
	_ =	sdelay $0x1  }
0xd4: {  	v2 =	vadd.f32 v5, v2;
	v5 =	vld.idx.msk [tilespmem:v1+s20+$0x0], $0xffff;
	_ =	sdelay $0x1  }
0xd5: {  	v1 =	vadd.f32 v4, v2;
	_ =	sdelay $0x1  }
0xd6: {  	v2 =	vmov s3;
	v3 =	vadd.f32 v3, v1  }
.Ltmp1:
0xd7: {  	v1 =	vshll.u32 v2, $0x7;
	(pc) =	sbr.rel @p0 .LBB2_5-.Ltmp1, $4  }
0xd8: {  	v1 =	vor.u32 v0, v1;
	v2 =	vadd.f32 v5, v3  }
0xd9: {  	v9 =	vor.u32 $0x1, v1;
	v8 =	vor.u32 $0x2, v1;
	v7 =	vor.u32 $0x3, v1  }
0xda: {  	v6 =	vor.u32 $0x4, v1;
	v4 =	vor.u32 $0x5, v1;
	v10 =	vmul.f32 $-5.000000000e-01, v2  }
0xdb: {  	v5 =	vor.u32 $0x6, v1;
	v3 =	vor.u32 $0x7, v1;
	v2 =	vor.u32 $0x8, v1  }
0xdc: {  	_ =	sdelay $0x2  }
0xdd: {  	[tilespmem:s29+$0x0] =	vst v10  }
0xde: {  	v10 =	vld.idx.msk [tilespmem:v1+s20+$0x0], $0xffff;
	_ =	sdelay $0x1  }
0xdf: {  	v9 =	vld.idx.msk [tilespmem:v9+s20+$0x0], $0xffff;
	_ =	sdelay $0x1  }
0xe0: {  	v8 =	vld.idx.msk [tilespmem:v8+s20+$0x0], $0xffff  }
0xe1: {  	v10 =	vadd.f32 $0.0e+00, v10  }
0xe2: {  	v7 =	vld.idx.msk [tilespmem:v7+s20+$0x0], $0xffff  }
0xe3: {  	v9 =	vadd.f32 v9, v10  }
0xe4: {  	v6 =	vld.idx.msk [tilespmem:v6+s20+$0x0], $0xffff  }
0xe5: {  	v8 =	vadd.f32 v8, v9  }
0xe6: {  	v4 =	vld.idx.msk [tilespmem:v4+s20+$0x0], $0xffff  }
0xe7: {  	v7 =	vadd.f32 v7, v8  }
0xe8: {  	v5 =	vld.idx.msk [tilespmem:v5+s20+$0x0], $0xffff  }
0xe9: {  	v8 =	vor.u32 $0x9, v1;
	v6 =	vadd.f32 v6, v7  }
0xea: {  	v3 =	vld.idx.msk [tilespmem:v3+s20+$0x0], $0xffff  }
0xeb: {  	v7 =	vor.u32 $0xA, v1;
	v4 =	vadd.f32 v4, v6  }
0xec: {  	v2 =	vld.idx.msk [tilespmem:v2+s20+$0x0], $0xffff  }
0xed: {  	v6 =	vor.u32 $0xB, v1;
	v4 =	vadd.f32 v5, v4  }
0xee: {  	v5 =	vld.idx.msk [tilespmem:v8+s20+$0x0], $0xffff  }
0xef: {  	v8 =	vor.u32 $0xC, v1;
	v3 =	vadd.f32 v3, v4  }
0xf0: {  	v4 =	vld.idx.msk [tilespmem:v7+s20+$0x0], $0xffff  }
0xf1: {  	v7 =	vor.u32 $0xD, v1;
	v2 =	vadd.f32 v2, v3  }
0xf2: {  	v3 =	vld.idx.msk [tilespmem:v6+s20+$0x0], $0xffff  }
0xf3: {  	v6 =	vor.u32 $0xE, v1;
	v2 =	vadd.f32 v5, v2  }
0xf4: {  	v5 =	vld.idx.msk [tilespmem:v8+s20+$0x0], $0xffff  }
0xf5: {  	v1 =	vor.u32 $0xF, v1;
	v2 =	vadd.f32 v4, v2  }
0xf6: {  	v4 =	vld.idx.msk [tilespmem:v7+s20+$0x0], $0xffff  }
0xf7: {  	v2 =	vadd.f32 v3, v2  }
0xf8: {  	v3 =	vld.idx.msk [tilespmem:v6+s20+$0x0], $0xffff  }
0xf9: {  	v2 =	vadd.f32 v5, v2  }
0xfa: {  	v1 =	vld.idx.msk [tilespmem:v1+s20+$0x0], $0xffff  }
0xfb: {  	v2 =	vadd.f32 v4, v2;
	_ =	sdelay $0x1  }
0xfc: {  	v2 =	vadd.f32 v3, v2;
	_ =	sdelay $0x1  }
0xfd: {  	v1 =	vadd.f32 v1, v2;
	_ =	sdelay $0x1  }
0xfe: {  	p0 =	seq.s32 s28, $0x3;
	v1 =	vmul.f32 $-5.000000000e-01, v1  }
0xff: {  	s0 =	sadd.s32 $0x10, s29;
	s3 =	sshll.u32 @!p0 s28, $0x7  }
0x100: {  	s29 =	simm.s32 @!p0 $0x40;
	s30 =	simm.s32 @!p0 $0x600;
	[tilespmem:s0+$0x0] =	vst v1;
	s0 =	sadd.s32 @!p0 $0x80, s3  }
0x101: {  	[tilespmem:s30], [sflag:$0x1] =	stream.indirect.gather @!p0 [hbm4b:s1+s29], $0x80, s0, s29, $0xb8;
	[tilespmem:$0xE800] =	vst v63  }
0x102: {  	s0 =	sadd.s32 @!p0 $0x280, s3;
	s30 =	simm.s32 @!p0 $0x4600  }
0x103: {  	[tilespmem:s30], [sflag:$0x1] =	stream.indirect.gather @!p0 [hbm4b:s1+s29], $0x80, s0, s29, $0xb8;
	[tilespmem:$0xE800] =	vst v63  }
0x104: {  	s0 =	sadd.s32 @!p0 $0x480, s3;
	s3 =	simm.s32 @!p0 $0x8600  }
0x105: {  	[tilespmem:s3], [sflag:$0x1] =	stream.indirect.gather @!p0 [hbm4b:s2+s29], $0x80, s0, s29, $0xb8;
	[tilespmem:$0xE800] =	vst v63  }
0x106: {  	_ =	swait.ge [sflag:s21], $0x2000  }
0x107: {  	[sflag:s21] =	ssyncset.done $0x0  }
0x108: {  	[sflag:s21] =	ssyncadd.s32 $0xFFFFE000  }
0x109: {  	_ =	swait.ge [sflag:s21], $0x2000  }
0x10a: {  	[sflag:s21] =	ssyncset.done $0x0  }
0x10b: {  	[sflag:s21] =	ssyncadd.s32 $0xFFFFE000  }
0x10c: {  	_ =	swait.ge [sflag:s21], $0x2000  }
0x10d: {  	[sflag:s21] =	ssyncset.done $0x0  }
0x10e: {  	s29 =	simm.s32 $0x0;
	[sflag:s21] =	ssyncadd.s32 $0xFFFFE000  }
0x10f: {  	v1 =	vld [tilespmem:s29+$0x2620]  }
0x110: {  	v2 =	vld [tilespmem:s29+$0x6610]  }
0x111: {  	v3 =	vld [tilespmem:s29+$0x6650]  }
0x112: {  	v4 =	vld [tilespmem:s29+$0x6640]  }
0x113: {  	v5 =	vld [tilespmem:s29+$0xA630]  }
0x114: {  	v6 =	vld [tilespmem:s29+$0x2650]  }
0x115: {  	v7 =	vld [tilespmem:s29+$0xA650]  }
0x116: {  	v8 =	vld [tilespmem:s29+$0x2610]  }
0x117: {  	v9 =	vld [tilespmem:s29+$0xA610]  }
0x118: {  	v10 =	vld [tilespmem:s29+$0xA600]  }
0x119: {  	v11 =	vld [tilespmem:s29+$0xA640]  }
0x11a: {  	v12 =	vld [tilespmem:s29+$0x2600]  }
0x11b: {  	v13 =	vld [tilespmem:s29+$0x2640]  }
0x11c: {  	v14 =	vld [tilespmem:s29+$0x2660]  }
0x11d: {  	v15 =	vld [tilespmem:s29+$0xA660]  }
0x11e: {  	v16 =	vld [tilespmem:s29+$0xA620]  }
0x11f: {  	v17 =	vld [tilespmem:s29+$0x2630]  }
0x120: {  	v18 =	vld [tilespmem:s29+$0x2670]  }
0x121: {  	v21 =	vld [tilespmem:s29+$0xA670];
	v19 =	vmul.f32 v11, v12;
	v20 =	vmul.f32 v10, v13  }
0x122: {  	s30 =	simm.s32 $0x80;
	v24 =	vld [tilespmem:s29+$0x6660];
	v22 =	vmul.f32 v7, v6;
	v23 =	vmul.f32 v9, v8  }
0x123: {  	v27 =	vld [tilespmem:s30+$0xA660];
	v6 =	vmul.f32 v9, v6;
	v7 =	vmul.f32 v7, v8  }
0x124: {  	v8 =	vld [tilespmem:s29+$0x6600];
	v10 =	vmul.f32 v10, v12;
	v11 =	vmul.f32 v11, v13;
	v9 =	vadd.f32 v19, v20  }
0x125: {  	v32 =	vld [tilespmem:s30+$0x2670];
	v13 =	vmul.f32 v15, v14;
	v19 =	vsub.f32 v23, v22;
	v7 =	vadd.f32 v7, v6  }
0x126: {  	v33 =	vld [tilespmem:s30+$0xA670];
	v10 =	vsub.f32 v10, v11;
	v11 =	vmul.f32 v15, v1;
	v15 =	vmul.f32 v5, v18  }
0x127: {  	v12 =	vld [tilespmem:s29+$0x6620];
	v18 =	vmul.f32 v21, v18;
	v5 =	vmul.f32 v5, v17;
	v4 =	vsub.f32 v9, v4  }
0x128: {  	v20 =	vld [tilespmem:s29+$0x6670];
	v1 =	vmul.f32 v16, v1;
	v2 =	vsub.f32 v19, v2;
	v3 =	vsub.f32 v7, v3  }
0x129: {  	v9 =	vld [tilespmem:s29+$0x6630];
	v19 =	vmul.f32 v21, v17;
	v7 =	vmul.f32 v16, v14;
	v8 =	vsub.f32 v10, v8  }
0x12a: {  	v6 =	vld [tilespmem:s30+$0x2620];
	v5 =	vsub.f32 v5, v18;
	v4 =	vmul.f32 v4, v4;
	v3 =	vmul.f32 v3, v3  }
0x12b: {  	v22 =	vld [tilespmem:s30+$0x2640];
	v10 =	vadd.f32 v19, v15;
	v2 =	vmul.f32 v2, v2;
	v8 =	vmul.f32 v8, v8  }
0x12c: {  	v7 =	vadd.f32 v11, v7;
	v11 =	vsub.f32 v1, v13;
	v13 =	vld [tilespmem:s30+$0x2650]  }
0x12d: {  	v3 =	vadd.f32 v3, v2;
	v1 =	vadd.f32 v4, v8;
	v4 =	vld [tilespmem:s30+$0xA650]  }
0x12e: {  	v5 =	vsub.f32 v5, v9;
	v9 =	vsub.f32 v11, v12;
	v11 =	vld [tilespmem:s30+$0x2610]  }
0x12f: {  	v8 =	vsub.f32 v7, v24;
	v7 =	vld [tilespmem:s30+$0xA630]  }
0x130: {  	v16 =	vshra.s32 v3, $0x1;
	v2 =	vmul.f32 v5, v5;
	v5 =	vsub.f32 v10, v20;
	v10 =	vld [tilespmem:s30+$0xA610]  }
0x131: {  	v12 =	vmul.f32 v8, v8;
	v15 =	vmul.f32 v9, v9;
	v8 =	vshra.s32 v1, $0x1;
	v20 =	vld [tilespmem:s30+$0xA640]  }
0x132: {  	v9 =	vsub.s32 $0x5F3759DF, v8;
	v8 =	vsub.s32 $0x5F3759DF, v16;
	v16 =	vld [tilespmem:s30+$0x2600];
	v19 =	vmul.f32 v5, v5  }
0x133: {  	v21 =	vld [tilespmem:s30+$0xA600];
	v5 =	vadd.f32 v12, v15;
	v15 =	vmul.f32 v8, v3;
	v23 =	vmul.f32 v9, v1  }
0x134: {  	v17 =	vld [tilespmem:s30+$0x6610];
	v28 =	vmul.f32 v7, v32;
	v2 =	vadd.f32 v19, v2;
	v19 =	vmul.f32 v4, v13  }
0x135: {  	v14 =	vld [tilespmem:s30+$0x6650];
	v24 =	vshra.s32 v5, $0x1;
	v30 =	vmul.f32 v8, v15;
	v25 =	vmul.f32 v10, v11  }
0x136: {  	v18 =	vld [tilespmem:s30+$0x6640];
	v13 =	vmul.f32 v10, v13;
	v11 =	vmul.f32 v4, v11;
	v10 =	vsub.s32 $0x5F3759DF, v24  }
0x137: {  	v12 =	vld [tilespmem:s30+$0x2660];
	v26 =	vshra.s32 v2, $0x1;
	v24 =	vmul.f32 v20, v16;
	v20 =	vmul.f32 v20, v22  }
0x138: {  	v15 =	vld [tilespmem:s30+$0x2630];
	v19 =	vsub.f32 v25, v19;
	v25 =	vmul.f32 v21, v16;
	v11 =	vadd.f32 v11, v13  }
0x139: {  	v4 =	vsub.s32 $0x5F3759DF, v26;
	v26 =	vmul.f32 v10, v5;
	v21 =	vmul.f32 v21, v22  }
0x13a: {  	v31 =	vmul.f32 v4, v2;
	v13 =	vsub.f32 v19, v17;
	v11 =	vsub.f32 v11, v14  }
0x13b: {  	v17 =	vmul.f32 v9, v23;
	v21 =	vadd.f32 v24, v21;
	v34 =	vmul.f32 v10, v26;
	v26 =	vld [tilespmem:s30+$0x6600]  }
0x13c: {  	v16 =	vld [tilespmem:s30+$0xA620];
	v23 =	vsub.f32 v25, v20;
	v19 =	vmul.f32 v27, v12;
	v20 =	vmul.f32 v27, v6  }
0x13d: {  	v14 =	vld [tilespmem:s30+$0x6660];
	v29 =	vmul.f32 v33, v15;
	v27 =	vsub.f32 $3.000000000e+00, v30;
	v21 =	vsub.f32 v21, v18  }
0x13e: {  	v24 =	vld [tilespmem:s30+$0x6630];
	v30 =	vmul.f32 v33, v32;
	v25 =	vsub.f32 $3.000000000e+00, v17;
	v18 =	vmul.f32 v11, v11  }
0x13f: {  	s31 =	simm.s32 $0x0;
	s0 =	simm.s32 $0x400;
	v17 =	vld [tilespmem:s30+$0x6620];
	v11 =	vmul.f32 v4, v31;
	v22 =	vmul.f32 v21, v21;
	v21 =	vsub.f32 $3.000000000e+00, v34  }
.LBB2_7:
0x140: {  	s3 =	sshra.s32 s0, $0x2;
	p0 =	sne.s32 s0, $0x7E00;
	s0 =	sadd.s32 $0x200, s0;
	v23 =	vsub.f32 v23, v26;
	v26 =	vld [tilespmem:s30+$0x6670];
	v7 =	vmul.f32 v7, v15;
	v9 =	vmul.f32 v9, v25  }
0x141: {  	v12 =	vmul.f32 v16, v12;
	v25 =	vadd.f32 v29, v28;
	v15 =	vld [tilespmem:s3+$0x2620]  }
0x142: {  	v6 =	vmul.f32 v16, v6;
	v8 =	vmul.f32 v8, v27;
	v28 =	vld [tilespmem:s3+$0x6610];
	v7 =	vsub.f32 v7, v30  }
0x143: {  	v13 =	vmul.f32 v13, v13;
	v16 =	vmul.f32 v23, v23;
	v12 =	vadd.f32 v20, v12;
	v27 =	vld [tilespmem:s3+$0x6650]  }
0x144: {  	v10 =	vmul.f32 v10, v21;
	v19 =	vsub.f32 v6, v19;
	v29 =	vld [tilespmem:s3+$0x6640];
	v23 =	vsub.f32 v7, v24  }
0x145: {  	v20 =	vmul.f32 v8, v3;
	v3 =	vadd.f32 v18, v13;
	v16 =	vadd.f32 v22, v16;
	v7 =	vld [tilespmem:s3+$0xA630]  }
0x146: {  	v10 =	vmul.f32 v10, v5;
	v8 =	vsub.f32 v12, v14;
	v13 =	vld [tilespmem:s3+$0x2650];
	v12 =	vmul.f32 v23, v23;
	v6 =	vmovc v15  }
0x147: {  	v5 =	vsub.f32 v19, v17;
	v17 =	vmul.f32 v9, v1;
	v15 =	vsub.f32 v25, v26;
	v1 =	vmovc v16;
	v14 =	vld [tilespmem:s3+$0xA650]  }
0x148: {  	v18 =	vshra.s32 v3, $0x1;
	v19 =	vmul.f32 v8, v8;
	v9 =	vshra.s32 v1, $0x1;
	v16 =	vld [tilespmem:s3+$0x2610]  }
0x149: {  	v5 =	vmul.f32 v5, v5;
	v9 =	vsub.s32 $0x5F3759DF, v9;
	v15 =	vmul.f32 v15, v15;
	v21 =	vld [tilespmem:s3+$0xA610]  }
0x14a: {  	v11 =	vsub.f32 $3.000000000e+00, v11;
	v8 =	vsub.s32 $0x5F3759DF, v18;
	v17 =	vadd.f32 $0.0e+00, v17;
	v22 =	vld [tilespmem:s3+$0xA600]  }
0x14b: {  	v23 =	vmul.f32 v8, v3;
	v5 =	vadd.f32 v19, v5;
	v15 =	vadd.f32 v15, v12;
	v18 =	vld [tilespmem:s3+$0xA640]  }
0x14c: {  	v11 =	vmul.f32 v4, v11;
	v17 =	vadd.f32 v20, v17;
	v19 =	vld [tilespmem:s3+$0x2600];
	v24 =	vmul.f32 v14, v13  }
0x14d: {  	v25 =	vmul.f32 v9, v1;
	v26 =	vshra.s32 v5, $0x1;
	v4 =	vshra.s32 v15, $0x1;
	v20 =	vld [tilespmem:s3+$0x2640]  }
0x14e: {  	v17 =	vadd.f32 v10, v17;
	v30 =	vmul.f32 v21, v16;
	v13 =	vmul.f32 v21, v13;
	v12 =	vld [tilespmem:s3+$0x2660]  }
0x14f: {  	v11 =	vmul.f32 v11, v2;
	v2 =	vmovc v15;
	v14 =	vmul.f32 v14, v16;
	v4 =	vsub.s32 $0x5F3759DF, v4;
	v21 =	vld [tilespmem:s3+$0xA660]  }
0x150: {  	v10 =	vsub.s32 $0x5F3759DF, v26;
	v24 =	vsub.f32 v30, v24;
	v16 =	vld [tilespmem:s3+$0xA620];
	v30 =	vmul.f32 v8, v23  }
0x151: {  	v11 =	vadd.f32 v11, v17;
	v32 =	vmul.f32 v4, v2;
	v31 =	vmul.f32 v18, v19;
	v15 =	vld [tilespmem:s3+$0x2630]  }
0x152: {  	v34 =	vmul.f32 v10, v5;
	v14 =	vadd.f32 v14, v13;
	v17 =	vmul.f32 v22, v19;
	v33 =	vld [tilespmem:s3+$0x2670]  }
0x153: {  	v18 =	vmul.f32 v18, v20;
	v19 =	vmul.f32 v22, v20;
	v13 =	vsub.f32 v24, v28;
	v35 =	vld [tilespmem:s3+$0xA670];
	[tilespmem:s29+$0xC600] =	vst v11;
	s29 =	smov.u32 s30;
	s30 =	smov.u32 s3  }
0x154: {  	v22 =	vmul.f32 v9, v25;
	v11 =	vsub.f32 v14, v27;
	v14 =	vld [tilespmem:s30+$0x6660]  }
.Ltmp2:
0x155: {  	v23 =	vsub.f32 v17, v18;
	v18 =	vadd.f32 v31, v19;
	v19 =	vmul.f32 v21, v12;
	v26 =	vld [tilespmem:s30+$0x6600];
	(pc) =	sbr.rel @p0 .LBB2_7-.Ltmp2, $4  }
0x156: {  	v20 =	vmul.f32 v21, v6;
	v25 =	vsub.f32 $3.000000000e+00, v22;
	v21 =	vmul.f32 v10, v34;
	v17 =	vld [tilespmem:s30+$0x6620]  }
0x157: {  	v22 =	vsub.f32 v18, v29;
	v18 =	vmul.f32 v11, v11;
	v28 =	vmul.f32 v7, v33  }
0x158: {  	v27 =	vsub.f32 $3.000000000e+00, v30;
	v11 =	vmul.f32 v4, v32;
	v29 =	vmul.f32 v35, v15  }
0x159: {  	v21 =	vsub.f32 $3.000000000e+00, v21;
	v22 =	vmul.f32 v22, v22;
	v30 =	vmul.f32 v35, v33;
	v24 =	vld [tilespmem:s30+$0x6630]  }
0x15a: {  	v12 =	vmul.f32 v16, v12  }
0x15b: {  	v6 =	vmul.f32 v16, v6;
	v52 =	vsub.f32 v23, v26;
	v53 =	vld [tilespmem:s30+$0x6670];
	v7 =	vmul.f32 v7, v15  }
0x15c: {  	v54 =	vadd.f32 v29, v28;
	v13 =	vmul.f32 v13, v13;
	v12 =	vadd.f32 v20, v12  }
0x15d: {  	v6 =	vsub.f32 v6, v19;
	v7 =	vsub.f32 v7, v30;
	v16 =	vmul.f32 v52, v52  }
0x15e: {  	v9 =	vmul.f32 v9, v25;
	v13 =	vadd.f32 v18, v13;
	v12 =	vsub.f32 v12, v14  }
0x15f: {  	v8 =	vmul.f32 v8, v27;
	v6 =	vsub.f32 v6, v17;
	v55 =	vadd.f32 v22, v16  }
0x160: {  	v7 =	vsub.f32 v7, v24;
	v56 =	vshra.s32 v13, $0x1;
	v15 =	vsub.f32 v54, v53  }
0x161: {  	v12 =	vmul.f32 v12, v12;
	v6 =	vmul.f32 v6, v6;
	v16 =	vshra.s32 v55, $0x1  }
0x162: {  	v7 =	vmul.f32 v7, v7;
	v16 =	vsub.s32 $0x5F3759DF, v16;
	v15 =	vmul.f32 v15, v15  }
0x163: {  	v6 =	vadd.f32 v12, v6;
	v57 =	vmul.f32 v16, v55;
	v12 =	vsub.s32 $0x5F3759DF, v56  }
0x164: {  	v10 =	vmul.f32 v10, v21;
	v7 =	vadd.f32 v15, v7;
	v18 =	vmul.f32 v12, v13  }
0x165: {  	v3 =	vmul.f32 v8, v3;
	v58 =	vshra.s32 v6, $0x1;
	v17 =	vmul.f32 v16, v57  }
0x166: {  	v15 =	vsub.s32 $0x5F3759DF, v58;
	v8 =	vshra.s32 v7, $0x1;
	v18 =	vmul.f32 v12, v18  }
0x167: {  	v59 =	vmul.f32 v15, v6;
	v8 =	vsub.s32 $0x5F3759DF, v8;
	v17 =	vsub.f32 $3.000000000e+00, v17  }
0x168: {  	v5 =	vmul.f32 v10, v5;
	v60 =	vmul.f32 v8, v7  }
0x169: {  	v10 =	vsub.f32 $3.000000000e+00, v18;
	v19 =	vmul.f32 v15, v59;
	v16 =	vmul.f32 v16, v17  }
0x16a: {  	v11 =	vsub.f32 $3.000000000e+00, v11;
	v1 =	vmul.f32 v9, v1;
	v9 =	vmul.f32 v8, v60  }
0x16b: {  	v10 =	vmul.f32 v12, v10;
	v61 =	vsub.f32 $3.000000000e+00, v19;
	v62 =	vmul.f32 v16, v55  }
0x16c: {  	v1 =	vadd.f32 $0.0e+00, v1;
	v9 =	vsub.f32 $3.000000000e+00, v9  }
0x16d: {  	v10 =	vmul.f32 v10, v13;
	v63 =	vmul.f32 v15, v61;
	v12 =	vadd.f32 $0.0e+00, v62  }
0x16e: {  	v1 =	vadd.f32 v3, v1;
	v3 =	vmul.f32 v4, v11;
	v8 =	vmul.f32 v8, v9  }
0x16f: {  	v9 =	vmov s31;
	v4 =	vmul.f32 v63, v6;
	v6 =	vadd.f32 v10, v12  }
0x170: {  	v1 =	vadd.f32 v5, v1;
	v2 =	vmul.f32 v3, v2;
	v3 =	vshll.u32 v9, $0x7  }
0x171: {  	v5 =	vmul.f32 v8, v7;
	v3 =	vor.u32 v0, v3;
	v4 =	vadd.f32 v4, v6  }
0x172: {  	v1 =	vadd.f32 v2, v1  }
0x173: {  	v2 =	vadd.f32 v5, v4;
	v4 =	vor.u32 $0x1, v3  }
0x174: {  	[tilespmem:s29+$0xC600] =	vst v1  }
0x175: {  	v1 =	vor.u32 $0x2, v3;
	[tilespmem:s30+$0xC600] =	vst v2  }
0x176: {  	v2 =	vld.idx.msk [tilespmem:v3+s20+$0x0], $0xffff  }
0x177: {  	v5 =	vor.u32 $0x3, v3  }
0x178: {  	v4 =	vld.idx.msk [tilespmem:v4+s20+$0x0], $0xffff  }
0x179: {  	v6 =	vor.u32 $0x4, v3  }
0x17a: {  	v1 =	vld.idx.msk [tilespmem:v1+s20+$0x0], $0xffff  }
0x17b: {  	v7 =	vor.u32 $0x5, v3;
	v2 =	vadd.f32 $0.0e+00, v2  }
0x17c: {  	v5 =	vld.idx.msk [tilespmem:v5+s20+$0x0], $0xffff  }
0x17d: {  	v8 =	vor.u32 $0x6, v3;
	v2 =	vadd.f32 v4, v2  }
0x17e: {  	v4 =	vld.idx.msk [tilespmem:v6+s20+$0x0], $0xffff  }
0x17f: {  	v6 =	vor.u32 $0x7, v3;
	v1 =	vadd.f32 v1, v2  }
0x180: {  	v2 =	vld.idx.msk [tilespmem:v7+s20+$0x0], $0xffff  }
0x181: {  	v7 =	vor.u32 $0x8, v3;
	v1 =	vadd.f32 v5, v1  }
0x182: {  	v5 =	vld.idx.msk [tilespmem:v8+s20+$0x0], $0xffff  }
0x183: {  	v8 =	vor.u32 $0x9, v3;
	v1 =	vadd.f32 v4, v1  }
0x184: {  	v4 =	vld.idx.msk [tilespmem:v6+s20+$0x0], $0xffff  }
0x185: {  	v6 =	vor.u32 $0xA, v3;
	v1 =	vadd.f32 v2, v1  }
0x186: {  	v2 =	vld.idx.msk [tilespmem:v7+s20+$0x0], $0xffff  }
0x187: {  	v7 =	vor.u32 $0xB, v3;
	v1 =	vadd.f32 v5, v1  }
0x188: {  	v5 =	vld.idx.msk [tilespmem:v8+s20+$0x0], $0xffff  }
0x189: {  	v8 =	vor.u32 $0xC, v3;
	v1 =	vadd.f32 v4, v1  }
0x18a: {  	v4 =	vld.idx.msk [tilespmem:v6+s20+$0x0], $0xffff  }
0x18b: {  	v6 =	vor.u32 $0xD, v3;
	v1 =	vadd.f32 v2, v1  }
0x18c: {  	v2 =	vld.idx.msk [tilespmem:v7+s20+$0x0], $0xffff  }
0x18d: {  	v7 =	vor.u32 $0xE, v3;
	v1 =	vadd.f32 v5, v1  }
0x18e: {  	v5 =	vld.idx.msk [tilespmem:v8+s20+$0x0], $0xffff  }
0x18f: {  	v3 =	vor.u32 $0xF, v3;
	v1 =	vadd.f32 v4, v1  }
0x190: {  	v4 =	vld.idx.msk [tilespmem:v6+s20+$0x0], $0xffff  }
0x191: {  	v1 =	vadd.f32 v2, v1  }
0x192: {  	v2 =	vld.idx.msk [tilespmem:v7+s20+$0x0], $0xffff  }
0x193: {  	v1 =	vadd.f32 v5, v1  }
0x194: {  	v3 =	vld.idx.msk [tilespmem:v3+s20+$0x0], $0xffff  }
0x195: {  	v1 =	vadd.f32 v4, v1  }
0x196: {  	s0 =	simm.s32 $0x10  }
0x197: {  	v4 =	vmov s0;
	v2 =	vadd.f32 v2, v1  }
0x198: {  	v1 =	vshll.u32 v4, $0x7  }
0x199: {  	v1 =	vor.u32 v0, v1;
	v2 =	vadd.f32 v3, v2  }
0x19a: {  	v9 =	vor.u32 $0x1, v1;
	v8 =	vor.u32 $0x2, v1;
	v7 =	vor.u32 $0x3, v1  }
0x19b: {  	v6 =	vor.u32 $0x4, v1;
	v4 =	vor.u32 $0x5, v1;
	v5 =	vor.u32 $0x6, v1  }
0x19c: {  	s29 =	smov.u32 s25;
	s0 =	simm.s32 $0x20;
	v3 =	vor.u32 $0x7, v1;
	v10 =	vmul.f32 $-5.000000000e-01, v2;
	v2 =	vor.u32 $0x8, v1  }
.LBB2_9:
0x19d: {  	p0 =	sne.s32 s0, $0x30  }
0x19e: {  	v11 =	vor.u32 $0x9, v1;
	v12 =	vor.u32 $0xA, v1;
	v13 =	vor.u32 $0xB, v1;
	[tilespmem:s29+$0x0] =	vst v10;
	s29 =	sadd.s32 $0x10, s29;
	s3 =	smov.u32 s0;
	s0 =	sadd.s32 $0x10, s0  }
0x19f: {  	v14 =	vor.u32 $0xC, v1;
	v15 =	vor.u32 $0xD, v1;
	v16 =	vor.u32 $0xE, v1;
	v10 =	vld.idx.msk [tilespmem:v1+s20+$0x0], $0xffff  }
0x1a0: {  	v1 =	vor.u32 $0xF, v1  }
0x1a1: {  	v9 =	vld.idx.msk [tilespmem:v9+s20+$0x0], $0xffff;
	_ =	sdelay $0x1  }
0x1a2: {  	v8 =	vld.idx.msk [tilespmem:v8+s20+$0x0], $0xffff;
	_ =	sdelay $0x1  }
0x1a3: {  	v10 =	vadd.f32 $0.0e+00, v10;
	v7 =	vld.idx.msk [tilespmem:v7+s20+$0x0], $0xffff;
	_ =	sdelay $0x1  }
0x1a4: {  	v9 =	vadd.f32 v9, v10;
	v6 =	vld.idx.msk [tilespmem:v6+s20+$0x0], $0xffff;
	_ =	sdelay $0x1  }
0x1a5: {  	v8 =	vadd.f32 v8, v9;
	v4 =	vld.idx.msk [tilespmem:v4+s20+$0x0], $0xffff;
	_ =	sdelay $0x1  }
0x1a6: {  	v7 =	vadd.f32 v7, v8;
	v5 =	vld.idx.msk [tilespmem:v5+s20+$0x0], $0xffff;
	_ =	sdelay $0x1  }
0x1a7: {  	v6 =	vadd.f32 v6, v7;
	v3 =	vld.idx.msk [tilespmem:v3+s20+$0x0], $0xffff;
	_ =	sdelay $0x1  }
0x1a8: {  	v4 =	vadd.f32 v4, v6;
	v2 =	vld.idx.msk [tilespmem:v2+s20+$0x0], $0xffff;
	_ =	sdelay $0x1  }
0x1a9: {  	v4 =	vadd.f32 v5, v4;
	v5 =	vld.idx.msk [tilespmem:v11+s20+$0x0], $0xffff;
	_ =	sdelay $0x1  }
0x1aa: {  	v3 =	vadd.f32 v3, v4;
	v4 =	vld.idx.msk [tilespmem:v12+s20+$0x0], $0xffff;
	_ =	sdelay $0x1  }
0x1ab: {  	v2 =	vadd.f32 v2, v3;
	v3 =	vld.idx.msk [tilespmem:v13+s20+$0x0], $0xffff;
	_ =	sdelay $0x1  }
0x1ac: {  	v2 =	vadd.f32 v5, v2;
	v5 =	vld.idx.msk [tilespmem:v14+s20+$0x0], $0xffff;
	_ =	sdelay $0x1  }
0x1ad: {  	v2 =	vadd.f32 v4, v2;
	v4 =	vld.idx.msk [tilespmem:v15+s20+$0x0], $0xffff;
	_ =	sdelay $0x1  }
0x1ae: {  	v2 =	vadd.f32 v3, v2;
	v3 =	vld.idx.msk [tilespmem:v16+s20+$0x0], $0xffff;
	_ =	sdelay $0x1  }
0x1af: {  	v2 =	vadd.f32 v5, v2;
	v5 =	vld.idx.msk [tilespmem:v1+s20+$0x0], $0xffff;
	_ =	sdelay $0x1  }
0x1b0: {  	v1 =	vadd.f32 v4, v2;
	_ =	sdelay $0x1  }
0x1b1: {  	v2 =	vmov s3;
	v3 =	vadd.f32 v3, v1  }
.Ltmp3:
0x1b2: {  	v1 =	vshll.u32 v2, $0x7;
	(pc) =	sbr.rel @p0 .LBB2_9-.Ltmp3, $4  }
0x1b3: {  	v1 =	vor.u32 v0, v1;
	v2 =	vadd.f32 v5, v3  }
0x1b4: {  	v9 =	vor.u32 $0x1, v1;
	v8 =	vor.u32 $0x2, v1;
	v7 =	vor.u32 $0x3, v1  }
0x1b5: {  	v6 =	vor.u32 $0x4, v1;
	v4 =	vor.u32 $0x5, v1;
	v10 =	vmul.f32 $-5.000000000e-01, v2  }
0x1b6: {  	v5 =	vor.u32 $0x6, v1;
	v3 =	vor.u32 $0x7, v1;
	v2 =	vor.u32 $0x8, v1  }
0x1b7: {  	_ =	sdelay $0x2  }
0x1b8: {  	[tilespmem:s29+$0x0] =	vst v10  }
0x1b9: {  	v10 =	vld.idx.msk [tilespmem:v1+s20+$0x0], $0xffff;
	_ =	sdelay $0x1  }
0x1ba: {  	v9 =	vld.idx.msk [tilespmem:v9+s20+$0x0], $0xffff;
	_ =	sdelay $0x1  }
0x1bb: {  	v8 =	vld.idx.msk [tilespmem:v8+s20+$0x0], $0xffff  }
0x1bc: {  	v10 =	vadd.f32 $0.0e+00, v10  }
0x1bd: {  	v7 =	vld.idx.msk [tilespmem:v7+s20+$0x0], $0xffff  }
0x1be: {  	v9 =	vadd.f32 v9, v10  }
0x1bf: {  	v6 =	vld.idx.msk [tilespmem:v6+s20+$0x0], $0xffff  }
0x1c0: {  	v8 =	vadd.f32 v8, v9  }
0x1c1: {  	v4 =	vld.idx.msk [tilespmem:v4+s20+$0x0], $0xffff  }
0x1c2: {  	v7 =	vadd.f32 v7, v8  }
0x1c3: {  	v5 =	vld.idx.msk [tilespmem:v5+s20+$0x0], $0xffff  }
0x1c4: {  	v54 =	vor.u32 $0x9, v1;
	v6 =	vadd.f32 v6, v7  }
0x1c5: {  	v3 =	vld.idx.msk [tilespmem:v3+s20+$0x0], $0xffff  }
0x1c6: {  	v55 =	vor.u32 $0xA, v1;
	v4 =	vadd.f32 v4, v6  }
0x1c7: {  	v2 =	vld.idx.msk [tilespmem:v2+s20+$0x0], $0xffff  }
0x1c8: {  	v56 =	vor.u32 $0xB, v1;
	v4 =	vadd.f32 v5, v4  }
0x1c9: {  	v57 =	vld.idx.msk [tilespmem:v54+s20+$0x0], $0xffff  }
0x1ca: {  	v58 =	vor.u32 $0xC, v1;
	v3 =	vadd.f32 v3, v4  }
0x1cb: {  	v59 =	vld.idx.msk [tilespmem:v55+s20+$0x0], $0xffff  }
0x1cc: {  	v60 =	vor.u32 $0xD, v1;
	v2 =	vadd.f32 v2, v3  }
0x1cd: {  	v3 =	vld.idx.msk [tilespmem:v56+s20+$0x0], $0xffff  }
0x1ce: {  	v61 =	vor.u32 $0xE, v1;
	v2 =	vadd.f32 v57, v2  }
0x1cf: {  	v62 =	vld.idx.msk [tilespmem:v58+s20+$0x0], $0xffff  }
0x1d0: {  	v1 =	vor.u32 $0xF, v1;
	v2 =	vadd.f32 v59, v2  }
0x1d1: {  	v63 =	vld.idx.msk [tilespmem:v60+s20+$0x0], $0xffff  }
0x1d2: {  	v2 =	vadd.f32 v3, v2  }
0x1d3: {  	v3 =	vld.idx.msk [tilespmem:v61+s20+$0x0], $0xffff  }
0x1d4: {  	v2 =	vadd.f32 v62, v2  }
0x1d5: {  	v1 =	vld.idx.msk [tilespmem:v1+s20+$0x0], $0xffff  }
0x1d6: {  	v2 =	vadd.f32 v63, v2;
	_ =	sdelay $0x1  }
0x1d7: {  	s28 =	sadd.s32 $0x1, s28;
	v2 =	vadd.f32 v3, v2  }
0x1d8: {  	p0 =	sne.s32 s28, $0x4  }
.Ltmp4:
0x1d9: {  	v1 =	vadd.f32 v1, v2;
	(pc) =	sbr.rel @p0 .LBB2_2-.Ltmp4, $4  }
0x1da: {  	_ = 	snop  }
0x1db: {  	v1 =	vmul.f32 $-5.000000000e-01, v1  }
0x1dc: {  	s0 =	sadd.s32 $0x10, s29  }
0x1dd: {  	s26 =	sadd.s32 $0x80, s26;
	s25 =	sadd.s32 $0x80, s25;
	[tilespmem:s0+$0x0] =	vst v1  }
0x1de: {  	s24 =	sadd.s32 $0x1, s24  }
0x1df: {  	p0 =	sne.s32 s24, s9  }
.Ltmp5:
0x1e0: {  	_ = 	snop;
	(pc) =	sbr.rel @p0 .LBB2_1-.Ltmp5, $4  }
0x1e1: {  	[hbm4b:s8+s4] =	stream.linear.scatter [tilespmem:s22], [sflag:$0x3], $0x200, $0x38;
	[tilespmem:$0xE800] =	vst v63  }
0x1e2: {  	_ =	swait.ge [sflag:s23], $0x200  }
0x1e3: {  	[sflag:s23] =	ssyncset.done $0x0  }
0x1e4: {  	[sflag:s23] =	ssyncadd.s32 $0xFFFFFE00  }
0x1e5: {  	_ =	sfence.sel $0x180000  }
0x1e6: {  	[bflag:$0x0] =	sbarrier.arrive $0xFFFF  }
0x1e7: {  	_ =	strace $0x90000047  }
0x1e8: {  	s0 =	stileid.u32;
	[bflag:$0x2] =	sbarrier.arrive $0xFFFF  }
0x1e9: {  	p0 =	sne.s32 s0, $0x0;
	s0 =	rddreg [dreg:$0x6]  }
0x1ea: {  	s0 =	sadd.s32 @!p0 $0x100000, s0  }
0x1eb: {  	[sflag:s0] =	ssyncadd.tile.s32 @!p0 $0x1;
	_ =	shalt  }
.Lfunc_end2:
_tile_overlayer_lowered:
.L_overlay_start_2:
0x1ec: {  	(tag) =	ssettag $0x2  }
0x1ed: {  	s0 =	rddreg [dreg:$0x0];
	s2 =	stileid.u32  }
0x1ee: {  	s1 =	rddreg [dreg:$0x1];
	p0 =	sne.s32 s2, $0x0  }
0x1ef: {  	s3 =	rddreg [dreg:$0x2];
	[bflag:$0x3] =	sbarrier.arrive $0xFFFF;
	s2 =	simm.s32 @!p0 $0x1C03  }
0x1f0: {  	[timem:s3], [sflag:s2] =	dma.local @!p0 [hbm:s0], s1  }
0x1f1: {  	s0 =	simm.s32 @!p0 $0x3  }
0x1f2: {  	_ =	swait.ge @!p0 [sflag:s0], s1  }
0x1f3: {  	s1 =	ssub.s32 @!p0 $0x0, s1;
	[sflag:s0] =	ssyncset.done @!p0 $0x0  }
0x1f4: {  	[sflag:s0] =	ssyncadd.s32 @!p0 s1  }
0x1f5: {  	[bflag:$0x3] =	sbarrier.arrive $0xFFFF  }
0x1f6: {  	_ =	shalt  }

</sc_bundles>
